<compile_context>
chip_gen: v7x
topology: tpu7x:2x2x1
jax: 0.10.2.dev20260603
libtpu: 0.0.44.dev20260713+nightly
codegen_flags: <defaults>
</compile_context>

<pallas_src>
import jax
import jax.numpy as jnp
from jax import lax
from jax.experimental import pallas as pl
from jax.experimental.pallas import tpu as pltpu
from jax.experimental.pallas import tpu_sc as plsc

B = 16384
L = 20
F = 32
D1 = 32
D2 = 16

NC = 2
NS = 16
NW = NC * NS

BL = B * L
RI = BL // NW
RU = B // NW
CH = 128
GRP = 16
ROWS_G = CH * GRP
NGI = RI // ROWS_G
NCH_I = RI // CH
NCH_U = RU // CH


def _sc_gather_body(itab_mf, itab_mlp, utab_mf, utab_mlp, iidx_hbm, uidx_hbm,
                    o_imf, o_imlp, o_umf, o_umlp,
                    iidx_v, uidx_v, rbuf, ubuf, sem):
  wid = lax.axis_index("s") * NC + lax.axis_index("c")

  pltpu.sync_copy(iidx_hbm.at[wid], iidx_v)
  pltpu.sync_copy(uidx_hbm.at[wid], uidx_v)

  ibase = wid * RI
  ubase = wid * RU

  def item_table(tab, out):
    def group(g, carry):
      descs = []
      for i in range(GRP):
        d = pltpu.async_copy(
            tab.at[iidx_v.at[g * GRP + i]],
            rbuf.at[pl.ds(i * CH, CH)], sem)
        descs.append(d)
      for d in descs:
        d.wait()
      pltpu.sync_copy(rbuf, out.at[pl.ds(ibase + g * ROWS_G, ROWS_G)])
      return carry
    lax.fori_loop(0, NGI, group, 0)

  def user_table(tab, out):
    descs = []
    for i in range(NCH_U):
      d = pltpu.async_copy(
          tab.at[uidx_v.at[i]],
          ubuf.at[pl.ds(i * CH, CH)], sem)
      descs.append(d)
    for d in descs:
      d.wait()
    pltpu.sync_copy(ubuf, out.at[pl.ds(ubase, RU)])

  item_table(itab_mf, o_imf)
  item_table(itab_mlp, o_imlp)
  user_table(utab_mf, o_umf)
  user_table(utab_mlp, o_umlp)


def _sc_gather(itab_mf, itab_mlp, utab_mf, utab_mlp, iidx, uidx):
  mesh = plsc.VectorSubcoreMesh(core_axis_name="c", subcore_axis_name="s")
  return pl.kernel(
      _sc_gather_body,
      out_type=[
          jax.ShapeDtypeStruct((BL, F), jnp.float32),
          jax.ShapeDtypeStruct((BL, F), jnp.float32),
          jax.ShapeDtypeStruct((B, F), jnp.float32),
          jax.ShapeDtypeStruct((B, F), jnp.float32),
      ],
      mesh=mesh,
      scratch_types=[
          pltpu.VMEM((NCH_I, CH), jnp.int32),
          pltpu.VMEM((NCH_U, CH), jnp.int32),
          pltpu.VMEM((ROWS_G, F), jnp.float32),
          pltpu.VMEM((RU, F), jnp.float32),
          pltpu.SemaphoreType.DMA,
      ],
      compiler_params=pltpu.CompilerParams(use_tc_tiling_on_sc=False),
  )(itab_mf, itab_mlp, utab_mf, utab_mlp, iidx, uidx)


BBLK = 512
PK = 4
RPB = L // PK


def _tc_body(x4, xf4, gum, guf, w0ut, b0t, w0ib, w1b, b1t, wlmf, wsel1, wsel2,
             tile4, blr, out):
  pu_t = jnp.dot(gum[...], w0ut[...], preferred_element_type=jnp.float32) \
      + b0t[...]
  v_t = jnp.dot(guf[...] * wlmf[...], tile4[...],
                preferred_element_type=jnp.float32)
  pu_r = jnp.broadcast_to(pu_t[None], (RPB, BBLK, PK * F)).reshape(
      RPB * BBLK, PK * F)
  v_r = jnp.broadcast_to(v_t[None], (RPB, BBLK, PK * F)).reshape(
      RPB * BBLK, PK * F)
  xx = x4[...].reshape(RPB * BBLK, PK * F)
  xf = xf4[...].reshape(RPB * BBLK, PK * F)
  h0 = jnp.maximum(
      jnp.dot(xx, w0ib[...], preferred_element_type=jnp.float32) + pu_r,
      0.0)
  h1 = jnp.maximum(
      jnp.dot(h0, w1b[...], preferred_element_type=jnp.float32) + b1t[...],
      0.0)
  res = (jnp.dot(h1, wsel1[...], preferred_element_type=jnp.float32)
         + jnp.dot(xf * v_r, wsel2[...],
                   preferred_element_type=jnp.float32) + blr[...])
  out[...] = res.reshape(RPB, BBLK, PK)


def _tc_tower(g_imlp, g_imf, g_umlp, g_umf, W0, b0, W1, b1, Wl, bl):
  x4 = g_imlp.reshape(RPB, B, PK * F)
  xf4 = g_imf.reshape(RPB, B, PK * F)
  eyef = jnp.eye(F, dtype=jnp.float32)
  eyep = jnp.eye(PK, dtype=jnp.float32)
  tile4 = jnp.tile(eyef, (1, PK))
  w0ut = jnp.tile(W0[:F], (1, PK))
  b0t = jnp.tile(b0, PK).reshape(1, PK * D1)
  w0ib = jnp.kron(eyep, W0[F:])
  w1b = jnp.kron(eyep, W1)
  b1t = jnp.tile(b1, PK).reshape(1, PK * D2)
  wlmf = Wl[:F].reshape(1, F)
  wsel1 = jnp.kron(eyep, Wl[F:])
  wsel2 = jnp.kron(eyep, jnp.ones((F, 1), jnp.float32))
  blr = bl.reshape(1, 1)

  out = pl.pallas_call(
      _tc_body,
      grid=(B // BBLK,),
      in_specs=[
          pl.BlockSpec((RPB, BBLK, PK * F), lambda i: (0, i, 0)),
          pl.BlockSpec((RPB, BBLK, PK * F), lambda i: (0, i, 0)),
          pl.BlockSpec((BBLK, F), lambda i: (i, 0)),
          pl.BlockSpec((BBLK, F), lambda i: (i, 0)),
          pl.BlockSpec((F, PK * F), lambda i: (0, 0)),
          pl.BlockSpec((1, PK * D1), lambda i: (0, 0)),
          pl.BlockSpec((PK * F, PK * D1), lambda i: (0, 0)),
          pl.BlockSpec((PK * D1, PK * D2), lambda i: (0, 0)),
          pl.BlockSpec((1, PK * D2), lambda i: (0, 0)),
          pl.BlockSpec((1, F), lambda i: (0, 0)),
          pl.BlockSpec((PK * D2, PK), lambda i: (0, 0)),
          pl.BlockSpec((PK * F, PK), lambda i: (0, 0)),
          pl.BlockSpec((F, PK * F), lambda i: (0, 0)),
          pl.BlockSpec((1, 1), lambda i: (0, 0)),
      ],
      out_specs=pl.BlockSpec((RPB, BBLK, PK), lambda i: (0, i, 0)),
      out_shape=jax.ShapeDtypeStruct((RPB, B, PK), jnp.float32),
  )(x4, xf4, g_umlp, g_umf, w0ut, b0t, w0ib, w1b, b1t, wlmf, wsel1, wsel2,
    tile4, blr)
  return out.transpose(1, 0, 2).reshape(B, L)


@jax.jit
def kernel(user_ids, item_ids, emb_user_mf, emb_item_mf, emb_user_mlp,
           emb_item_mlp, W0, b0, W1, b1, Wl, bl):
  iidx = item_ids.astype(jnp.int32).reshape(B, RPB, PK).transpose(
      1, 0, 2).reshape(NW, NCH_I, CH)
  uidx = user_ids.astype(jnp.int32).reshape(NW, NCH_U, CH)

  g_imf, g_imlp, g_umf, g_umlp = _sc_gather(
      emb_item_mf, emb_item_mlp, emb_user_mf, emb_user_mlp, iidx, uidx)

  return _tc_tower(g_imlp, g_imf, g_umlp, g_umf, W0, b0, W1, b1, Wl, bl)

# --- scband reference (transcript-rebuilt; emitter-appended) ---
"""Pipeline reference for scband-neural-cf-2637109920078 (READ-ONLY COPY).

The authoritative reference and input builder live on the scoring server;
editing this copy changes nothing except your own understanding.
"""

import jax, jax.numpy as jnp
import numpy as np

N_USERS = 1000000
N_ITEMS = 1000000
N_FACTOR = 32
HIDDEN = [64, 32, 16]
B = 16384
L = 20


def setup_inputs(seed: int = 0) -> dict:
    key = jax.random.key(seed)
    ks = jax.random.split(key, 12)
    user_ids = jax.random.randint(ks[0], (B, 1), 0, N_USERS, dtype=jnp.int64 if jax.config.jax_enable_x64 else jnp.int32)
    item_ids = jax.random.randint(ks[1], (B, L), 0, N_ITEMS, dtype=jnp.int64 if jax.config.jax_enable_x64 else jnp.int32)
    emb_user_mf = jax.random.normal(ks[2], (N_USERS, N_FACTOR), dtype=jnp.float32) * 0.01
    emb_item_mf = jax.random.normal(ks[3], (N_ITEMS, N_FACTOR), dtype=jnp.float32) * 0.01
    emb_user_mlp = jax.random.normal(ks[4], (N_USERS, HIDDEN[0] // 2), dtype=jnp.float32) * 0.01
    emb_item_mlp = jax.random.normal(ks[5], (N_ITEMS, HIDDEN[0] // 2), dtype=jnp.float32) * 0.01
    W0 = jax.random.normal(ks[6], (HIDDEN[0], HIDDEN[1]), dtype=jnp.float32) * 0.05
    b0 = jnp.zeros((HIDDEN[1],), dtype=jnp.float32)
    W1 = jax.random.normal(ks[7], (HIDDEN[1], HIDDEN[2]), dtype=jnp.float32) * 0.05
    b1 = jnp.zeros((HIDDEN[2],), dtype=jnp.float32)
    Wl = jax.random.normal(ks[8], (N_FACTOR + HIDDEN[2], 1), dtype=jnp.float32) * 0.05
    bl = jnp.zeros((1,), dtype=jnp.float32)
    return {
        'user_ids': user_ids, 'item_ids': item_ids,
        'emb_user_mf': emb_user_mf, 'emb_item_mf': emb_item_mf,
        'emb_user_mlp': emb_user_mlp, 'emb_item_mlp': emb_item_mlp,
        'W0': W0, 'b0': b0, 'W1': W1, 'b1': b1, 'Wl': Wl, 'bl': bl,
    }


def reference(user_ids, item_ids, emb_user_mf, emb_item_mf, emb_user_mlp, emb_item_mlp,
              W0, b0, W1, b1, Wl, bl):
    # Embedding gathers (SparseCore-style lookups)
    eu_mf = jnp.take(emb_user_mf, user_ids, axis=0)    # [B, 1, F]
    ei_mf = jnp.take(emb_item_mf, item_ids, axis=0)    # [B, L, F]
    eu_mlp = jnp.take(emb_user_mlp, user_ids, axis=0)  # [B, 1, D0/2]
    ei_mlp = jnp.take(emb_item_mlp, item_ids, axis=0)  # [B, L, D0/2]
    # GMF branch: elementwise product (broadcast user over L items)
    mf_output = eu_mf * ei_mf                           # [B, L, F]
    # MLP branch: concat(user expanded, item)
    eu_mlp_exp = jnp.broadcast_to(eu_mlp, ei_mlp.shape)
    mlp_output = jnp.concatenate([eu_mlp_exp, ei_mlp], axis=-1)  # [B, L, D0]
    mlp_output = jax.nn.relu(mlp_output @ W0 + b0)      # [B, L, D1]
    mlp_output = jax.nn.relu(mlp_output @ W1 + b1)      # [B, L, D2]
    fused = jnp.concatenate([mf_output, mlp_output], axis=-1)    # [B, L, F+D2]
    out = fused @ Wl + bl                               # [B, L, 1]
    return jnp.squeeze(out, axis=2)                     # [B, L]

if __name__ == "__main__":
    import jax
    _d = setup_inputs()
    print(jax.jit(kernel)(*tuple(_d.values())))

</pallas_src>

<mosaic_0001>
#map = affine_map<(d0, d1) -> (0, 0)>
#map1 = affine_map<(d0, d1) -> (0, 0, 0)>
module attributes {stable_mosaic.version = 14 : i64} {
  func.func @_sc_gather_body(%arg0: i32, %arg1: i32, %arg2: memref<1000000x32xf32, #tpu.memory_space<hbm>>, %arg3: memref<1000000x32xf32, #tpu.memory_space<hbm>>, %arg4: memref<1000000x32xf32, #tpu.memory_space<hbm>>, %arg5: memref<1000000x32xf32, #tpu.memory_space<hbm>>, %arg6: memref<32x80x128xi32, #tpu.memory_space<hbm>>, %arg7: memref<32x4x128xi32, #tpu.memory_space<hbm>>, %arg8: memref<327680x32xf32, #tpu.memory_space<hbm>>, %arg9: memref<327680x32xf32, #tpu.memory_space<hbm>>, %arg10: memref<16384x32xf32, #tpu.memory_space<hbm>>, %arg11: memref<16384x32xf32, #tpu.memory_space<hbm>>, %arg12: memref<80x128xi32, #tpu.memory_space<vmem>>, %arg13: memref<4x128xi32, #tpu.memory_space<vmem>>, %arg14: memref<2048x32xf32, #tpu.memory_space<vmem>>, %arg15: memref<512x32xf32, #tpu.memory_space<vmem>>, %arg16: memref<!tpu.dma_semaphore, #tpu.memory_space<semaphore_mem>>) attributes {dimension_semantics = [#tpu.dimension_semantics<core_parallel>, #tpu.dimension_semantics<subcore_parallel>], iteration_bounds = array<i64: 2, 16>, scalar_prefetch = 0 : i64, scratch_operands = 5 : i64, tpu.core_type = #tpu.core_type<sc_vector_subcore>, window_params = [{transform_indices = #map}, {transform_indices = #map}, {transform_indices = #map}, {transform_indices = #map}, {transform_indices = #map1}, {transform_indices = #map1}, {transform_indices = #map}, {transform_indices = #map}, {transform_indices = #map}, {transform_indices = #map}]} {
    %mul3A = arith.constant 2 : i32
    %mul3A_0 = arith.muli %arg1, %mul3A : i32
    %add3A = arith.addi %mul3A_0, %arg0 : i32
    "tpu.region"() ({
      %run_scoped3A = tpu.sem_alloc : memref<!tpu.dma_semaphore, #tpu.memory_space<semaphore_mem>>
      %dma_start3A_174 = arith.constant 0 : i32
      %dma_start3A_175 = arith.constant 0 : i32
      %dma_start3A_176 = tpu.memref_slice %arg6[%add3A, %dma_start3A_174, %dma_start3A_175] : memref<32x80x128xi32, #tpu.memory_space<hbm>> -> memref<1x80x128xi32, #tpu.memory_space<hbm>>
      %dma_start3A_177 = tpu.memref_squeeze %dma_start3A_176 : memref<1x80x128xi32, #tpu.memory_space<hbm>> -> memref<80x128xi32, #tpu.memory_space<hbm>>
      %dma_start3A_178 = arith.constant 0 : i32
      %dma_start3A_179 = arith.constant 0 : i32
      %dma_start3A_180 = tpu.memref_slice %arg6[%add3A, %dma_start3A_178, %dma_start3A_179] : memref<32x80x128xi32, #tpu.memory_space<hbm>> -> memref<1x80x128xi32, #tpu.memory_space<hbm>>
      %dma_start3A_181 = tpu.memref_squeeze %dma_start3A_180 : memref<1x80x128xi32, #tpu.memory_space<hbm>> -> memref<80x128xi32, #tpu.memory_space<hbm>>
      tpu.enqueue_dma source(%dma_start3A_181 : memref<80x128xi32, #tpu.memory_space<hbm>>) target(%arg12 : memref<80x128xi32, #tpu.memory_space<vmem>>) target_semaphore(%run_scoped3A : memref<!tpu.dma_semaphore, #tpu.memory_space<semaphore_mem>>)
      %dma_wait3A_182 = arith.constant 0 : i32
      %dma_wait3A_183 = arith.constant 0 : i32
      %dma_wait3A_184 = tpu.memref_slice %arg6[%add3A, %dma_wait3A_182, %dma_wait3A_183] : memref<32x80x128xi32, #tpu.memory_space<hbm>> -> memref<1x80x128xi32, #tpu.memory_space<hbm>>
      %dma_wait3A_185 = tpu.memref_squeeze %dma_wait3A_184 : memref<1x80x128xi32, #tpu.memory_space<hbm>> -> memref<80x128xi32, #tpu.memory_space<hbm>>
      %dma_wait3A_186 = arith.constant 0 : i32
      %dma_wait3A_187 = arith.constant 0 : i32
      %dma_wait3A_188 = tpu.memref_slice %arg6[%add3A, %dma_wait3A_186, %dma_wait3A_187] : memref<32x80x128xi32, #tpu.memory_space<hbm>> -> memref<1x80x128xi32, #tpu.memory_space<hbm>>
      %dma_wait3A_189 = tpu.memref_squeeze %dma_wait3A_188 : memref<1x80x128xi32, #tpu.memory_space<hbm>> -> memref<80x128xi32, #tpu.memory_space<hbm>>
      tpu.wait_dma2 semaphore(%run_scoped3A : memref<!tpu.dma_semaphore, #tpu.memory_space<semaphore_mem>>) src(%dma_wait3A_189 : memref<80x128xi32, #tpu.memory_space<hbm>>) dst(%arg12 : memref<80x128xi32, #tpu.memory_space<vmem>>)
      tpu.yield
    }) : () -> ()
    "tpu.region"() ({
      %run_scoped3A = tpu.sem_alloc : memref<!tpu.dma_semaphore, #tpu.memory_space<semaphore_mem>>
      %dma_start3A_174 = arith.constant 0 : i32
      %dma_start3A_175 = arith.constant 0 : i32
      %dma_start3A_176 = tpu.memref_slice %arg7[%add3A, %dma_start3A_174, %dma_start3A_175] : memref<32x4x128xi32, #tpu.memory_space<hbm>> -> memref<1x4x128xi32, #tpu.memory_space<hbm>>
      %dma_start3A_177 = tpu.memref_squeeze %dma_start3A_176 : memref<1x4x128xi32, #tpu.memory_space<hbm>> -> memref<4x128xi32, #tpu.memory_space<hbm>>
      %dma_start3A_178 = arith.constant 0 : i32
      %dma_start3A_179 = arith.constant 0 : i32
      %dma_start3A_180 = tpu.memref_slice %arg7[%add3A, %dma_start3A_178, %dma_start3A_179] : memref<32x4x128xi32, #tpu.memory_space<hbm>> -> memref<1x4x128xi32, #tpu.memory_space<hbm>>
      %dma_start3A_181 = tpu.memref_squeeze %dma_start3A_180 : memref<1x4x128xi32, #tpu.memory_space<hbm>> -> memref<4x128xi32, #tpu.memory_space<hbm>>
      tpu.enqueue_dma source(%dma_start3A_181 : memref<4x128xi32, #tpu.memory_space<hbm>>) target(%arg13 : memref<4x128xi32, #tpu.memory_space<vmem>>) target_semaphore(%run_scoped3A : memref<!tpu.dma_semaphore, #tpu.memory_space<semaphore_mem>>)
      %dma_wait3A_182 = arith.constant 0 : i32
      %dma_wait3A_183 = arith.constant 0 : i32
      %dma_wait3A_184 = tpu.memref_slice %arg7[%add3A, %dma_wait3A_182, %dma_wait3A_183] : memref<32x4x128xi32, #tpu.memory_space<hbm>> -> memref<1x4x128xi32, #tpu.memory_space<hbm>>
      %dma_wait3A_185 = tpu.memref_squeeze %dma_wait3A_184 : memref<1x4x128xi32, #tpu.memory_space<hbm>> -> memref<4x128xi32, #tpu.memory_space<hbm>>
      %dma_wait3A_186 = arith.constant 0 : i32
      %dma_wait3A_187 = arith.constant 0 : i32
      %dma_wait3A_188 = tpu.memref_slice %arg7[%add3A, %dma_wait3A_186, %dma_wait3A_187] : memref<32x4x128xi32, #tpu.memory_space<hbm>> -> memref<1x4x128xi32, #tpu.memory_space<hbm>>
      %dma_wait3A_189 = tpu.memref_squeeze %dma_wait3A_188 : memref<1x4x128xi32, #tpu.memory_space<hbm>> -> memref<4x128xi32, #tpu.memory_space<hbm>>
      tpu.wait_dma2 semaphore(%run_scoped3A : memref<!tpu.dma_semaphore, #tpu.memory_space<semaphore_mem>>) src(%dma_wait3A_189 : memref<4x128xi32, #tpu.memory_space<hbm>>) dst(%arg13 : memref<4x128xi32, #tpu.memory_space<vmem>>)
      tpu.yield
    }) : () -> ()
    %mul3A_1 = arith.constant 10240 : i32
    %mul3A_2 = arith.muli %add3A, %mul3A_1 : i32
    %mul3A_3 = arith.constant 512 : i32
    %mul3A_4 = arith.muli %add3A, %mul3A_3 : i32
    %scan3A = arith.constant 0 : i32
    %scan3A_5 = arith.constant 0 : i32
    %scan3A_6 = arith.constant 5 : i32
    %scan3A_7 = arith.addi %scan3A_5, %scan3A_6 : i32
    %scan3A_8 = arith.constant 1 : i32
    scf.for %scan3A_174 = %scan3A_5 to %scan3A_7 step %scan3A_8  : i32 {
      %mul3A_175 = arith.constant 16 : i32
      %mul3A_176 = arith.muli %scan3A_174, %mul3A_175 : i32
      %add3A_177 = arith.constant 0 : i32
      %add3A_178 = arith.addi %mul3A_176, %add3A_177 : i32
      %dma_start3A_179 = arith.constant 0 : i32
      %dma_start3A_180 = arith.constant 0 : i32
      %dma_start3A_181 = tpu.memref_slice %arg14[%dma_start3A_179, %dma_start3A_180] : memref<2048x32xf32, #tpu.memory_space<vmem>> -> memref<128x32xf32, #tpu.memory_space<vmem>>
      %dma_start3A_182 = arith.constant 0 : i32
      %dma_start3A_183 = tpu.memref_slice %arg12[%add3A_178, %dma_start3A_182] : memref<80x128xi32, #tpu.memory_space<vmem>> -> memref<1x128xi32, #tpu.memory_space<vmem>>
      %dma_start3A_184 = tpu.memref_squeeze %dma_start3A_183 : memref<1x128xi32, #tpu.memory_space<vmem>> -> memref<128xi32, #tpu.memory_space<vmem>>
      %dma_start3A_185 = arith.constant 0 : i32
      %dma_start3A_186 = arith.constant 0 : i32
      %dma_start3A_187 = tpu.memref_slice %arg2[%dma_start3A_185, %dma_start3A_186] : memref<1000000x32xf32, #tpu.memory_space<hbm>> -> memref<1000000x32xf32, #tpu.memory_space<hbm>>
      tpu.enqueue_indirect_dma source(%dma_start3A_187 : memref<1000000x32xf32, #tpu.memory_space<hbm>>) target(%dma_start3A_181 : memref<128x32xf32, #tpu.memory_space<vmem>>) offsets(%dma_start3A_184 : memref<128xi32, #tpu.memory_space<vmem>>) semaphore(%arg16 : memref<!tpu.dma_semaphore, #tpu.memory_space<semaphore_mem>>)
      %mul3A_188 = arith.constant 16 : i32
      %mul3A_189 = arith.muli %scan3A_174, %mul3A_188 : i32
      %add3A_190 = arith.constant 1 : i32
      %add3A_191 = arith.addi %mul3A_189, %add3A_190 : i32
      %dma_start3A_192 = arith.constant 128 : i32
      %dma_start3A_193 = arith.constant 0 : i32
      %dma_start3A_194 = tpu.memref_slice %arg14[%dma_start3A_192, %dma_start3A_193] : memref<2048x32xf32, #tpu.memory_space<vmem>> -> memref<128x32xf32, #tpu.memory_space<vmem>>
      %dma_start3A_195 = arith.constant 0 : i32
      %dma_start3A_196 = tpu.memref_slice %arg12[%add3A_191, %dma_start3A_195] : memref<80x128xi32, #tpu.memory_space<vmem>> -> memref<1x128xi32, #tpu.memory_space<vmem>>
      %dma_start3A_197 = tpu.memref_squeeze %dma_start3A_196 : memref<1x128xi32, #tpu.memory_space<vmem>> -> memref<128xi32, #tpu.memory_space<vmem>>
      %dma_start3A_198 = arith.constant 0 : i32
      %dma_start3A_199 = arith.constant 0 : i32
      %dma_start3A_200 = tpu.memref_slice %arg2[%dma_start3A_198, %dma_start3A_199] : memref<1000000x32xf32, #tpu.memory_space<hbm>> -> memref<1000000x32xf32, #tpu.memory_space<hbm>>
      tpu.enqueue_indirect_dma source(%dma_start3A_200 : memref<1000000x32xf32, #tpu.memory_space<hbm>>) target(%dma_start3A_194 : memref<128x32xf32, #tpu.memory_space<vmem>>) offsets(%dma_start3A_197 : memref<128xi32, #tpu.memory_space<vmem>>) semaphore(%arg16 : memref<!tpu.dma_semaphore, #tpu.memory_space<semaphore_mem>>)
      %mul3A_201 = arith.constant 16 : i32
      %mul3A_202 = arith.muli %scan3A_174, %mul3A_201 : i32
      %add3A_203 = arith.constant 2 : i32
      %add3A_204 = arith.addi %mul3A_202, %add3A_203 : i32
      %dma_start3A_205 = arith.constant 256 : i32
      %dma_start3A_206 = arith.constant 0 : i32
      %dma_start3A_207 = tpu.memref_slice %arg14[%dma_start3A_205, %dma_start3A_206] : memref<2048x32xf32, #tpu.memory_space<vmem>> -> memref<128x32xf32, #tpu.memory_space<vmem>>
      %dma_start3A_208 = arith.constant 0 : i32
      %dma_start3A_209 = tpu.memref_slice %arg12[%add3A_204, %dma_start3A_208] : memref<80x128xi32, #tpu.memory_space<vmem>> -> memref<1x128xi32, #tpu.memory_space<vmem>>
      %dma_start3A_210 = tpu.memref_squeeze %dma_start3A_209 : memref<1x128xi32, #tpu.memory_space<vmem>> -> memref<128xi32, #tpu.memory_space<vmem>>
      %dma_start3A_211 = arith.constant 0 : i32
      %dma_start3A_212 = arith.constant 0 : i32
      %dma_start3A_213 = tpu.memref_slice %arg2[%dma_start3A_211, %dma_start3A_212] : memref<1000000x32xf32, #tpu.memory_space<hbm>> -> memref<1000000x32xf32, #tpu.memory_space<hbm>>
      tpu.enqueue_indirect_dma source(%dma_start3A_213 : memref<1000000x32xf32, #tpu.memory_space<hbm>>) target(%dma_start3A_207 : memref<128x32xf32, #tpu.memory_space<vmem>>) offsets(%dma_start3A_210 : memref<128xi32, #tpu.memory_space<vmem>>) semaphore(%arg16 : memref<!tpu.dma_semaphore, #tpu.memory_space<semaphore_mem>>)
      %mul3A_214 = arith.constant 16 : i32
      %mul3A_215 = arith.muli %scan3A_174, %mul3A_214 : i32
      %add3A_216 = arith.constant 3 : i32
      %add3A_217 = arith.addi %mul3A_215, %add3A_216 : i32
      %dma_start3A_218 = arith.constant 384 : i32
      %dma_start3A_219 = arith.constant 0 : i32
      %dma_start3A_220 = tpu.memref_slice %arg14[%dma_start3A_218, %dma_start3A_219] : memref<2048x32xf32, #tpu.memory_space<vmem>> -> memref<128x32xf32, #tpu.memory_space<vmem>>
      %dma_start3A_221 = arith.constant 0 : i32
      %dma_start3A_222 = tpu.memref_slice %arg12[%add3A_217, %dma_start3A_221] : memref<80x128xi32, #tpu.memory_space<vmem>> -> memref<1x128xi32, #tpu.memory_space<vmem>>
      %dma_start3A_223 = tpu.memref_squeeze %dma_start3A_222 : memref<1x128xi32, #tpu.memory_space<vmem>> -> memref<128xi32, #tpu.memory_space<vmem>>
      %dma_start3A_224 = arith.constant 0 : i32
      %dma_start3A_225 = arith.constant 0 : i32
      %dma_start3A_226 = tpu.memref_slice %arg2[%dma_start3A_224, %dma_start3A_225] : memref<1000000x32xf32, #tpu.memory_space<hbm>> -> memref<1000000x32xf32, #tpu.memory_space<hbm>>
      tpu.enqueue_indirect_dma source(%dma_start3A_226 : memref<1000000x32xf32, #tpu.memory_space<hbm>>) target(%dma_start3A_220 : memref<128x32xf32, #tpu.memory_space<vmem>>) offsets(%dma_start3A_223 : memref<128xi32, #tpu.memory_space<vmem>>) semaphore(%arg16 : memref<!tpu.dma_semaphore, #tpu.memory_space<semaphore_mem>>)
      %mul3A_227 = arith.constant 16 : i32
      %mul3A_228 = arith.muli %scan3A_174, %mul3A_227 : i32
      %add3A_229 = arith.constant 4 : i32
      %add3A_230 = arith.addi %mul3A_228, %add3A_229 : i32
      %dma_start3A_231 = arith.constant 512 : i32
      %dma_start3A_232 = arith.constant 0 : i32
      %dma_start3A_233 = tpu.memref_slice %arg14[%dma_start3A_231, %dma_start3A_232] : memref<2048x32xf32, #tpu.memory_space<vmem>> -> memref<128x32xf32, #tpu.memory_space<vmem>>
      %dma_start3A_234 = arith.constant 0 : i32
      %dma_start3A_235 = tpu.memref_slice %arg12[%add3A_230, %dma_start3A_234] : memref<80x128xi32, #tpu.memory_space<vmem>> -> memref<1x128xi32, #tpu.memory_space<vmem>>
      %dma_start3A_236 = tpu.memref_squeeze %dma_start3A_235 : memref<1x128xi32, #tpu.memory_space<vmem>> -> memref<128xi32, #tpu.memory_space<vmem>>
      %dma_start3A_237 = arith.constant 0 : i32
      %dma_start3A_238 = arith.constant 0 : i32
      %dma_start3A_239 = tpu.memref_slice %arg2[%dma_start3A_237, %dma_start3A_238] : memref<1000000x32xf32, #tpu.memory_space<hbm>> -> memref<1000000x32xf32, #tpu.memory_space<hbm>>
      tpu.enqueue_indirect_dma source(%dma_start3A_239 : memref<1000000x32xf32, #tpu.memory_space<hbm>>) target(%dma_start3A_233 : memref<128x32xf32, #tpu.memory_space<vmem>>) offsets(%dma_start3A_236 : memref<128xi32, #tpu.memory_space<vmem>>) semaphore(%arg16 : memref<!tpu.dma_semaphore, #tpu.memory_space<semaphore_mem>>)
      %mul3A_240 = arith.constant 16 : i32
      %mul3A_241 = arith.muli %scan3A_174, %mul3A_240 : i32
      %add3A_242 = arith.constant 5 : i32
      %add3A_243 = arith.addi %mul3A_241, %add3A_242 : i32
      %dma_start3A_244 = arith.constant 640 : i32
      %dma_start3A_245 = arith.constant 0 : i32
      %dma_start3A_246 = tpu.memref_slice %arg14[%dma_start3A_244, %dma_start3A_245] : memref<2048x32xf32, #tpu.memory_space<vmem>> -> memref<128x32xf32, #tpu.memory_space<vmem>>
      %dma_start3A_247 = arith.constant 0 : i32
      %dma_start3A_248 = tpu.memref_slice %arg12[%add3A_243, %dma_start3A_247] : memref<80x128xi32, #tpu.memory_space<vmem>> -> memref<1x128xi32, #tpu.memory_space<vmem>>
      %dma_start3A_249 = tpu.memref_squeeze %dma_start3A_248 : memref<1x128xi32, #tpu.memory_space<vmem>> -> memref<128xi32, #tpu.memory_space<vmem>>
      %dma_start3A_250 = arith.constant 0 : i32
      %dma_start3A_251 = arith.constant 0 : i32
      %dma_start3A_252 = tpu.memref_slice %arg2[%dma_start3A_250, %dma_start3A_251] : memref<1000000x32xf32, #tpu.memory_space<hbm>> -> memref<1000000x32xf32, #tpu.memory_space<hbm>>
      tpu.enqueue_indirect_dma source(%dma_start3A_252 : memref<1000000x32xf32, #tpu.memory_space<hbm>>) target(%dma_start3A_246 : memref<128x32xf32, #tpu.memory_space<vmem>>) offsets(%dma_start3A_249 : memref<128xi32, #tpu.memory_space<vmem>>) semaphore(%arg16 : memref<!tpu.dma_semaphore, #tpu.memory_space<semaphore_mem>>)
      %mul3A_253 = arith.constant 16 : i32
      %mul3A_254 = arith.muli %scan3A_174, %mul3A_253 : i32
      %add3A_255 = arith.constant 6 : i32
      %add3A_256 = arith.addi %mul3A_254, %add3A_255 : i32
      %dma_start3A_257 = arith.constant 768 : i32
      %dma_start3A_258 = arith.constant 0 : i32
      %dma_start3A_259 = tpu.memref_slice %arg14[%dma_start3A_257, %dma_start3A_258] : memref<2048x32xf32, #tpu.memory_space<vmem>> -> memref<128x32xf32, #tpu.memory_space<vmem>>
      %dma_start3A_260 = arith.constant 0 : i32
      %dma_start3A_261 = tpu.memref_slice %arg12[%add3A_256, %dma_start3A_260] : memref<80x128xi32, #tpu.memory_space<vmem>> -> memref<1x128xi32, #tpu.memory_space<vmem>>
      %dma_start3A_262 = tpu.memref_squeeze %dma_start3A_261 : memref<1x128xi32, #tpu.memory_space<vmem>> -> memref<128xi32, #tpu.memory_space<vmem>>
      %dma_start3A_263 = arith.constant 0 : i32
      %dma_start3A_264 = arith.constant 0 : i32
      %dma_start3A_265 = tpu.memref_slice %arg2[%dma_start3A_263, %dma_start3A_264] : memref<1000000x32xf32, #tpu.memory_space<hbm>> -> memref<1000000x32xf32, #tpu.memory_space<hbm>>
      tpu.enqueue_indirect_dma source(%dma_start3A_265 : memref<1000000x32xf32, #tpu.memory_space<hbm>>) target(%dma_start3A_259 : memref<128x32xf32, #tpu.memory_space<vmem>>) offsets(%dma_start3A_262 : memref<128xi32, #tpu.memory_space<vmem>>) semaphore(%arg16 : memref<!tpu.dma_semaphore, #tpu.memory_space<semaphore_mem>>)
      %mul3A_266 = arith.constant 16 : i32
      %mul3A_267 = arith.muli %scan3A_174, %mul3A_266 : i32
      %add3A_268 = arith.constant 7 : i32
      %add3A_269 = arith.addi %mul3A_267, %add3A_268 : i32
      %dma_start3A_270 = arith.constant 896 : i32
      %dma_start3A_271 = arith.constant 0 : i32
      %dma_start3A_272 = tpu.memref_slice %arg14[%dma_start3A_270, %dma_start3A_271] : memref<2048x32xf32, #tpu.memory_space<vmem>> -> memref<128x32xf32, #tpu.memory_space<vmem>>
      %dma_start3A_273 = arith.constant 0 : i32
      %dma_start3A_274 = tpu.memref_slice %arg12[%add3A_269, %dma_start3A_273] : memref<80x128xi32, #tpu.memory_space<vmem>> -> memref<1x128xi32, #tpu.memory_space<vmem>>
      %dma_start3A_275 = tpu.memref_squeeze %dma_start3A_274 : memref<1x128xi32, #tpu.memory_space<vmem>> -> memref<128xi32, #tpu.memory_space<vmem>>
      %dma_start3A_276 = arith.constant 0 : i32
      %dma_start3A_277 = arith.constant 0 : i32
      %dma_start3A_278 = tpu.memref_slice %arg2[%dma_start3A_276, %dma_start3A_277] : memref<1000000x32xf32, #tpu.memory_space<hbm>> -> memref<1000000x32xf32, #tpu.memory_space<hbm>>
      tpu.enqueue_indirect_dma source(%dma_start3A_278 : memref<1000000x32xf32, #tpu.memory_space<hbm>>) target(%dma_start3A_272 : memref<128x32xf32, #tpu.memory_space<vmem>>) offsets(%dma_start3A_275 : memref<128xi32, #tpu.memory_space<vmem>>) semaphore(%arg16 : memref<!tpu.dma_semaphore, #tpu.memory_space<semaphore_mem>>)
      %mul3A_279 = arith.constant 16 : i32
      %mul3A_280 = arith.muli %scan3A_174, %mul3A_279 : i32
      %add3A_281 = arith.constant 8 : i32
      %add3A_282 = arith.addi %mul3A_280, %add3A_281 : i32
      %dma_start3A_283 = arith.constant 1024 : i32
      %dma_start3A_284 = arith.constant 0 : i32
      %dma_start3A_285 = tpu.memref_slice %arg14[%dma_start3A_283, %dma_start3A_284] : memref<2048x32xf32, #tpu.memory_space<vmem>> -> memref<128x32xf32, #tpu.memory_space<vmem>>
      %dma_start3A_286 = arith.constant 0 : i32
      %dma_start3A_287 = tpu.memref_slice %arg12[%add3A_282, %dma_start3A_286] : memref<80x128xi32, #tpu.memory_space<vmem>> -> memref<1x128xi32, #tpu.memory_space<vmem>>
      %dma_start3A_288 = tpu.memref_squeeze %dma_start3A_287 : memref<1x128xi32, #tpu.memory_space<vmem>> -> memref<128xi32, #tpu.memory_space<vmem>>
      %dma_start3A_289 = arith.constant 0 : i32
      %dma_start3A_290 = arith.constant 0 : i32
      %dma_start3A_291 = tpu.memref_slice %arg2[%dma_start3A_289, %dma_start3A_290] : memref<1000000x32xf32, #tpu.memory_space<hbm>> -> memref<1000000x32xf32, #tpu.memory_space<hbm>>
      tpu.enqueue_indirect_dma source(%dma_start3A_291 : memref<1000000x32xf32, #tpu.memory_space<hbm>>) target(%dma_start3A_285 : memref<128x32xf32, #tpu.memory_space<vmem>>) offsets(%dma_start3A_288 : memref<128xi32, #tpu.memory_space<vmem>>) semaphore(%arg16 : memref<!tpu.dma_semaphore, #tpu.memory_space<semaphore_mem>>)
      %mul3A_292 = arith.constant 16 : i32
      %mul3A_293 = arith.muli %scan3A_174, %mul3A_292 : i32
      %add3A_294 = arith.constant 9 : i32
      %add3A_295 = arith.addi %mul3A_293, %add3A_294 : i32
      %dma_start3A_296 = arith.constant 1152 : i32
      %dma_start3A_297 = arith.constant 0 : i32
      %dma_start3A_298 = tpu.memref_slice %arg14[%dma_start3A_296, %dma_start3A_297] : memref<2048x32xf32, #tpu.memory_space<vmem>> -> memref<128x32xf32, #tpu.memory_space<vmem>>
      %dma_start3A_299 = arith.constant 0 : i32
      %dma_start3A_300 = tpu.memref_slice %arg12[%add3A_295, %dma_start3A_299] : memref<80x128xi32, #tpu.memory_space<vmem>> -> memref<1x128xi32, #tpu.memory_space<vmem>>
      %dma_start3A_301 = tpu.memref_squeeze %dma_start3A_300 : memref<1x128xi32, #tpu.memory_space<vmem>> -> memref<128xi32, #tpu.memory_space<vmem>>
      %dma_start3A_302 = arith.constant 0 : i32
      %dma_start3A_303 = arith.constant 0 : i32
      %dma_start3A_304 = tpu.memref_slice %arg2[%dma_start3A_302, %dma_start3A_303] : memref<1000000x32xf32, #tpu.memory_space<hbm>> -> memref<1000000x32xf32, #tpu.memory_space<hbm>>
      tpu.enqueue_indirect_dma source(%dma_start3A_304 : memref<1000000x32xf32, #tpu.memory_space<hbm>>) target(%dma_start3A_298 : memref<128x32xf32, #tpu.memory_space<vmem>>) offsets(%dma_start3A_301 : memref<128xi32, #tpu.memory_space<vmem>>) semaphore(%arg16 : memref<!tpu.dma_semaphore, #tpu.memory_space<semaphore_mem>>)
      %mul3A_305 = arith.constant 16 : i32
      %mul3A_306 = arith.muli %scan3A_174, %mul3A_305 : i32
      %add3A_307 = arith.constant 10 : i32
      %add3A_308 = arith.addi %mul3A_306, %add3A_307 : i32
      %dma_start3A_309 = arith.constant 1280 : i32
      %dma_start3A_310 = arith.constant 0 : i32
      %dma_start3A_311 = tpu.memref_slice %arg14[%dma_start3A_309, %dma_start3A_310] : memref<2048x32xf32, #tpu.memory_space<vmem>> -> memref<128x32xf32, #tpu.memory_space<vmem>>
      %dma_start3A_312 = arith.constant 0 : i32
      %dma_start3A_313 = tpu.memref_slice %arg12[%add3A_308, %dma_start3A_312] : memref<80x128xi32, #tpu.memory_space<vmem>> -> memref<1x128xi32, #tpu.memory_space<vmem>>
      %dma_start3A_314 = tpu.memref_squeeze %dma_start3A_313 : memref<1x128xi32, #tpu.memory_space<vmem>> -> memref<128xi32, #tpu.memory_space<vmem>>
      %dma_start3A_315 = arith.constant 0 : i32
      %dma_start3A_316 = arith.constant 0 : i32
      %dma_start3A_317 = tpu.memref_slice %arg2[%dma_start3A_315, %dma_start3A_316] : memref<1000000x32xf32, #tpu.memory_space<hbm>> -> memref<1000000x32xf32, #tpu.memory_space<hbm>>
      tpu.enqueue_indirect_dma source(%dma_start3A_317 : memref<1000000x32xf32, #tpu.memory_space<hbm>>) target(%dma_start3A_311 : memref<128x32xf32, #tpu.memory_space<vmem>>) offsets(%dma_start3A_314 : memref<128xi32, #tpu.memory_space<vmem>>) semaphore(%arg16 : memref<!tpu.dma_semaphore, #tpu.memory_space<semaphore_mem>>)
      %mul3A_318 = arith.constant 16 : i32
      %mul3A_319 = arith.muli %scan3A_174, %mul3A_318 : i32
      %add3A_320 = arith.constant 11 : i32
      %add3A_321 = arith.addi %mul3A_319, %add3A_320 : i32
      %dma_start3A_322 = arith.constant 1408 : i32
      %dma_start3A_323 = arith.constant 0 : i32
      %dma_start3A_324 = tpu.memref_slice %arg14[%dma_start3A_322, %dma_start3A_323] : memref<2048x32xf32, #tpu.memory_space<vmem>> -> memref<128x32xf32, #tpu.memory_space<vmem>>
      %dma_start3A_325 = arith.constant 0 : i32
      %dma_start3A_326 = tpu.memref_slice %arg12[%add3A_321, %dma_start3A_325] : memref<80x128xi32, #tpu.memory_space<vmem>> -> memref<1x128xi32, #tpu.memory_space<vmem>>
      %dma_start3A_327 = tpu.memref_squeeze %dma_start3A_326 : memref<1x128xi32, #tpu.memory_space<vmem>> -> memref<128xi32, #tpu.memory_space<vmem>>
      %dma_start3A_328 = arith.constant 0 : i32
      %dma_start3A_329 = arith.constant 0 : i32
      %dma_start3A_330 = tpu.memref_slice %arg2[%dma_start3A_328, %dma_start3A_329] : memref<1000000x32xf32, #tpu.memory_space<hbm>> -> memref<1000000x32xf32, #tpu.memory_space<hbm>>
      tpu.enqueue_indirect_dma source(%dma_start3A_330 : memref<1000000x32xf32, #tpu.memory_space<hbm>>) target(%dma_start3A_324 : memref<128x32xf32, #tpu.memory_space<vmem>>) offsets(%dma_start3A_327 : memref<128xi32, #tpu.memory_space<vmem>>) semaphore(%arg16 : memref<!tpu.dma_semaphore, #tpu.memory_space<semaphore_mem>>)
      %mul3A_331 = arith.constant 16 : i32
      %mul3A_332 = arith.muli %scan3A_174, %mul3A_331 : i32
      %add3A_333 = arith.constant 12 : i32
      %add3A_334 = arith.addi %mul3A_332, %add3A_333 : i32
      %dma_start3A_335 = arith.constant 1536 : i32
      %dma_start3A_336 = arith.constant 0 : i32
      %dma_start3A_337 = tpu.memref_slice %arg14[%dma_start3A_335, %dma_start3A_336] : memref<2048x32xf32, #tpu.memory_space<vmem>> -> memref<128x32xf32, #tpu.memory_space<vmem>>
      %dma_start3A_338 = arith.constant 0 : i32
      %dma_start3A_339 = tpu.memref_slice %arg12[%add3A_334, %dma_start3A_338] : memref<80x128xi32, #tpu.memory_space<vmem>> -> memref<1x128xi32, #tpu.memory_space<vmem>>
      %dma_start3A_340 = tpu.memref_squeeze %dma_start3A_339 : memref<1x128xi32, #tpu.memory_space<vmem>> -> memref<128xi32, #tpu.memory_space<vmem>>
      %dma_start3A_341 = arith.constant 0 : i32
      %dma_start3A_342 = arith.constant 0 : i32
      %dma_start3A_343 = tpu.memref_slice %arg2[%dma_start3A_341, %dma_start3A_342] : memref<1000000x32xf32, #tpu.memory_space<hbm>> -> memref<1000000x32xf32, #tpu.memory_space<hbm>>
      tpu.enqueue_indirect_dma source(%dma_start3A_343 : memref<1000000x32xf32, #tpu.memory_space<hbm>>) target(%dma_start3A_337 : memref<128x32xf32, #tpu.memory_space<vmem>>) offsets(%dma_start3A_340 : memref<128xi32, #tpu.memory_space<vmem>>) semaphore(%arg16 : memref<!tpu.dma_semaphore, #tpu.memory_space<semaphore_mem>>)
      %mul3A_344 = arith.constant 16 : i32
      %mul3A_345 = arith.muli %scan3A_174, %mul3A_344 : i32
      %add3A_346 = arith.constant 13 : i32
      %add3A_347 = arith.addi %mul3A_345, %add3A_346 : i32
      %dma_start3A_348 = arith.constant 1664 : i32
      %dma_start3A_349 = arith.constant 0 : i32
      %dma_start3A_350 = tpu.memref_slice %arg14[%dma_start3A_348, %dma_start3A_349] : memref<2048x32xf32, #tpu.memory_space<vmem>> -> memref<128x32xf32, #tpu.memory_space<vmem>>
      %dma_start3A_351 = arith.constant 0 : i32
      %dma_start3A_352 = tpu.memref_slice %arg12[%add3A_347, %dma_start3A_351] : memref<80x128xi32, #tpu.memory_space<vmem>> -> memref<1x128xi32, #tpu.memory_space<vmem>>
      %dma_start3A_353 = tpu.memref_squeeze %dma_start3A_352 : memref<1x128xi32, #tpu.memory_space<vmem>> -> memref<128xi32, #tpu.memory_space<vmem>>
      %dma_start3A_354 = arith.constant 0 : i32
      %dma_start3A_355 = arith.constant 0 : i32
      %dma_start3A_356 = tpu.memref_slice %arg2[%dma_start3A_354, %dma_start3A_355] : memref<1000000x32xf32, #tpu.memory_space<hbm>> -> memref<1000000x32xf32, #tpu.memory_space<hbm>>
      tpu.enqueue_indirect_dma source(%dma_start3A_356 : memref<1000000x32xf32, #tpu.memory_space<hbm>>) target(%dma_start3A_350 : memref<128x32xf32, #tpu.memory_space<vmem>>) offsets(%dma_start3A_353 : memref<128xi32, #tpu.memory_space<vmem>>) semaphore(%arg16 : memref<!tpu.dma_semaphore, #tpu.memory_space<semaphore_mem>>)
      %mul3A_357 = arith.constant 16 : i32
      %mul3A_358 = arith.muli %scan3A_174, %mul3A_357 : i32
      %add3A_359 = arith.constant 14 : i32
      %add3A_360 = arith.addi %mul3A_358, %add3A_359 : i32
      %dma_start3A_361 = arith.constant 1792 : i32
      %dma_start3A_362 = arith.constant 0 : i32
      %dma_start3A_363 = tpu.memref_slice %arg14[%dma_start3A_361, %dma_start3A_362] : memref<2048x32xf32, #tpu.memory_space<vmem>> -> memref<128x32xf32, #tpu.memory_space<vmem>>
      %dma_start3A_364 = arith.constant 0 : i32
      %dma_start3A_365 = tpu.memref_slice %arg12[%add3A_360, %dma_start3A_364] : memref<80x128xi32, #tpu.memory_space<vmem>> -> memref<1x128xi32, #tpu.memory_space<vmem>>
      %dma_start3A_366 = tpu.memref_squeeze %dma_start3A_365 : memref<1x128xi32, #tpu.memory_space<vmem>> -> memref<128xi32, #tpu.memory_space<vmem>>
      %dma_start3A_367 = arith.constant 0 : i32
      %dma_start3A_368 = arith.constant 0 : i32
      %dma_start3A_369 = tpu.memref_slice %arg2[%dma_start3A_367, %dma_start3A_368] : memref<1000000x32xf32, #tpu.memory_space<hbm>> -> memref<1000000x32xf32, #tpu.memory_space<hbm>>
      tpu.enqueue_indirect_dma source(%dma_start3A_369 : memref<1000000x32xf32, #tpu.memory_space<hbm>>) target(%dma_start3A_363 : memref<128x32xf32, #tpu.memory_space<vmem>>) offsets(%dma_start3A_366 : memref<128xi32, #tpu.memory_space<vmem>>) semaphore(%arg16 : memref<!tpu.dma_semaphore, #tpu.memory_space<semaphore_mem>>)
      %mul3A_370 = arith.constant 16 : i32
      %mul3A_371 = arith.muli %scan3A_174, %mul3A_370 : i32
      %add3A_372 = arith.constant 15 : i32
      %add3A_373 = arith.addi %mul3A_371, %add3A_372 : i32
      %dma_start3A_374 = arith.constant 1920 : i32
      %dma_start3A_375 = arith.constant 0 : i32
      %dma_start3A_376 = tpu.memref_slice %arg14[%dma_start3A_374, %dma_start3A_375] : memref<2048x32xf32, #tpu.memory_space<vmem>> -> memref<128x32xf32, #tpu.memory_space<vmem>>
      %dma_start3A_377 = arith.constant 0 : i32
      %dma_start3A_378 = tpu.memref_slice %arg12[%add3A_373, %dma_start3A_377] : memref<80x128xi32, #tpu.memory_space<vmem>> -> memref<1x128xi32, #tpu.memory_space<vmem>>
      %dma_start3A_379 = tpu.memref_squeeze %dma_start3A_378 : memref<1x128xi32, #tpu.memory_space<vmem>> -> memref<128xi32, #tpu.memory_space<vmem>>
      %dma_start3A_380 = arith.constant 0 : i32
      %dma_start3A_381 = arith.constant 0 : i32
      %dma_start3A_382 = tpu.memref_slice %arg2[%dma_start3A_380, %dma_start3A_381] : memref<1000000x32xf32, #tpu.memory_space<hbm>> -> memref<1000000x32xf32, #tpu.memory_space<hbm>>
      tpu.enqueue_indirect_dma source(%dma_start3A_382 : memref<1000000x32xf32, #tpu.memory_space<hbm>>) target(%dma_start3A_376 : memref<128x32xf32, #tpu.memory_space<vmem>>) offsets(%dma_start3A_379 : memref<128xi32, #tpu.memory_space<vmem>>) semaphore(%arg16 : memref<!tpu.dma_semaphore, #tpu.memory_space<semaphore_mem>>)
      %dma_wait3A_383 = arith.constant 0 : i32
      %dma_wait3A_384 = arith.constant 0 : i32
      %dma_wait3A_385 = tpu.memref_slice %arg14[%dma_wait3A_383, %dma_wait3A_384] : memref<2048x32xf32, #tpu.memory_space<vmem>> -> memref<128x32xf32, #tpu.memory_space<vmem>>
      %dma_wait3A_386 = arith.constant 0 : i32
      %dma_wait3A_387 = tpu.memref_slice %arg12[%add3A_178, %dma_wait3A_386] : memref<80x128xi32, #tpu.memory_space<vmem>> -> memref<1x128xi32, #tpu.memory_space<vmem>>
      %dma_wait3A_388 = tpu.memref_squeeze %dma_wait3A_387 : memref<1x128xi32, #tpu.memory_space<vmem>> -> memref<128xi32, #tpu.memory_space<vmem>>
      %dma_wait3A_389 = arith.constant 0 : i32
      %dma_wait3A_390 = arith.constant 0 : i32
      %dma_wait3A_391 = tpu.memref_slice %arg2[%dma_wait3A_389, %dma_wait3A_390] : memref<1000000x32xf32, #tpu.memory_space<hbm>> -> memref<1000000x32xf32, #tpu.memory_space<hbm>>
      tpu.wait_indirect_dma semaphore(%arg16 : memref<!tpu.dma_semaphore, #tpu.memory_space<semaphore_mem>>) src(%dma_wait3A_391 : memref<1000000x32xf32, #tpu.memory_space<hbm>>) dst(%dma_wait3A_385 : memref<128x32xf32, #tpu.memory_space<vmem>>)
      %dma_wait3A_392 = arith.constant 128 : i32
      %dma_wait3A_393 = arith.constant 0 : i32
      %dma_wait3A_394 = tpu.memref_slice %arg14[%dma_wait3A_392, %dma_wait3A_393] : memref<2048x32xf32, #tpu.memory_space<vmem>> -> memref<128x32xf32, #tpu.memory_space<vmem>>
      %dma_wait3A_395 = arith.constant 0 : i32
      %dma_wait3A_396 = tpu.memref_slice %arg12[%add3A_191, %dma_wait3A_395] : memref<80x128xi32, #tpu.memory_space<vmem>> -> memref<1x128xi32, #tpu.memory_space<vmem>>
      %dma_wait3A_397 = tpu.memref_squeeze %dma_wait3A_396 : memref<1x128xi32, #tpu.memory_space<vmem>> -> memref<128xi32, #tpu.memory_space<vmem>>
      %dma_wait3A_398 = arith.constant 0 : i32
      %dma_wait3A_399 = arith.constant 0 : i32
      %dma_wait3A_400 = tpu.memref_slice %arg2[%dma_wait3A_398, %dma_wait3A_399] : memref<1000000x32xf32, #tpu.memory_space<hbm>> -> memref<1000000x32xf32, #tpu.memory_space<hbm>>
      tpu.wait_indirect_dma semaphore(%arg16 : memref<!tpu.dma_semaphore, #tpu.memory_space<semaphore_mem>>) src(%dma_wait3A_400 : memref<1000000x32xf32, #tpu.memory_space<hbm>>) dst(%dma_wait3A_394 : memref<128x32xf32, #tpu.memory_space<vmem>>)
      %dma_wait3A_401 = arith.constant 256 : i32
      %dma_wait3A_402 = arith.constant 0 : i32
      %dma_wait3A_403 = tpu.memref_slice %arg14[%dma_wait3A_401, %dma_wait3A_402] : memref<2048x32xf32, #tpu.memory_space<vmem>> -> memref<128x32xf32, #tpu.memory_space<vmem>>
      %dma_wait3A_404 = arith.constant 0 : i32
      %dma_wait3A_405 = tpu.memref_slice %arg12[%add3A_204, %dma_wait3A_404] : memref<80x128xi32, #tpu.memory_space<vmem>> -> memref<1x128xi32, #tpu.memory_space<vmem>>
      %dma_wait3A_406 = tpu.memref_squeeze %dma_wait3A_405 : memref<1x128xi32, #tpu.memory_space<vmem>> -> memref<128xi32, #tpu.memory_space<vmem>>
      %dma_wait3A_407 = arith.constant 0 : i32
      %dma_wait3A_408 = arith.constant 0 : i32
      %dma_wait3A_409 = tpu.memref_slice %arg2[%dma_wait3A_407, %dma_wait3A_408] : memref<1000000x32xf32, #tpu.memory_space<hbm>> -> memref<1000000x32xf32, #tpu.memory_space<hbm>>
      tpu.wait_indirect_dma semaphore(%arg16 : memref<!tpu.dma_semaphore, #tpu.memory_space<semaphore_mem>>) src(%dma_wait3A_409 : memref<1000000x32xf32, #tpu.memory_space<hbm>>) dst(%dma_wait3A_403 : memref<128x32xf32, #tpu.memory_space<vmem>>)
      %dma_wait3A_410 = arith.constant 384 : i32
      %dma_wait3A_411 = arith.constant 0 : i32
      %dma_wait3A_412 = tpu.memref_slice %arg14[%dma_wait3A_410, %dma_wait3A_411] : memref<2048x32xf32, #tpu.memory_space<vmem>> -> memref<128x32xf32, #tpu.memory_space<vmem>>
      %dma_wait3A_413 = arith.constant 0 : i32
      %dma_wait3A_414 = tpu.memref_slice %arg12[%add3A_217, %dma_wait3A_413] : memref<80x128xi32, #tpu.memory_space<vmem>> -> memref<1x128xi32, #tpu.memory_space<vmem>>
      %dma_wait3A_415 = tpu.memref_squeeze %dma_wait3A_414 : memref<1x128xi32, #tpu.memory_space<vmem>> -> memref<128xi32, #tpu.memory_space<vmem>>
      %dma_wait3A_416 = arith.constant 0 : i32
      %dma_wait3A_417 = arith.constant 0 : i32
      %dma_wait3A_418 = tpu.memref_slice %arg2[%dma_wait3A_416, %dma_wait3A_417] : memref<1000000x32xf32, #tpu.memory_space<hbm>> -> memref<1000000x32xf32, #tpu.memory_space<hbm>>
      tpu.wait_indirect_dma semaphore(%arg16 : memref<!tpu.dma_semaphore, #tpu.memory_space<semaphore_mem>>) src(%dma_wait3A_418 : memref<1000000x32xf32, #tpu.memory_space<hbm>>) dst(%dma_wait3A_412 : memref<128x32xf32, #tpu.memory_space<vmem>>)
      %dma_wait3A_419 = arith.constant 512 : i32
      %dma_wait3A_420 = arith.constant 0 : i32
      %dma_wait3A_421 = tpu.memref_slice %arg14[%dma_wait3A_419, %dma_wait3A_420] : memref<2048x32xf32, #tpu.memory_space<vmem>> -> memref<128x32xf32, #tpu.memory_space<vmem>>
      %dma_wait3A_422 = arith.constant 0 : i32
      %dma_wait3A_423 = tpu.memref_slice %arg12[%add3A_230, %dma_wait3A_422] : memref<80x128xi32, #tpu.memory_space<vmem>> -> memref<1x128xi32, #tpu.memory_space<vmem>>
      %dma_wait3A_424 = tpu.memref_squeeze %dma_wait3A_423 : memref<1x128xi32, #tpu.memory_space<vmem>> -> memref<128xi32, #tpu.memory_space<vmem>>
      %dma_wait3A_425 = arith.constant 0 : i32
      %dma_wait3A_426 = arith.constant 0 : i32
      %dma_wait3A_427 = tpu.memref_slice %arg2[%dma_wait3A_425, %dma_wait3A_426] : memref<1000000x32xf32, #tpu.memory_space<hbm>> -> memref<1000000x32xf32, #tpu.memory_space<hbm>>
      tpu.wait_indirect_dma semaphore(%arg16 : memref<!tpu.dma_semaphore, #tpu.memory_space<semaphore_mem>>) src(%dma_wait3A_427 : memref<1000000x32xf32, #tpu.memory_space<hbm>>) dst(%dma_wait3A_421 : memref<128x32xf32, #tpu.memory_space<vmem>>)
      %dma_wait3A_428 = arith.constant 640 : i32
      %dma_wait3A_429 = arith.constant 0 : i32
      %dma_wait3A_430 = tpu.memref_slice %arg14[%dma_wait3A_428, %dma_wait3A_429] : memref<2048x32xf32, #tpu.memory_space<vmem>> -> memref<128x32xf32, #tpu.memory_space<vmem>>
      %dma_wait3A_431 = arith.constant 0 : i32
      %dma_wait3A_432 = tpu.memref_slice %arg12[%add3A_243, %dma_wait3A_431] : memref<80x128xi32, #tpu.memory_space<vmem>> -> memref<1x128xi32, #tpu.memory_space<vmem>>
      %dma_wait3A_433 = tpu.memref_squeeze %dma_wait3A_432 : memref<1x128xi32, #tpu.memory_space<vmem>> -> memref<128xi32, #tpu.memory_space<vmem>>
      %dma_wait3A_434 = arith.constant 0 : i32
      %dma_wait3A_435 = arith.constant 0 : i32
      %dma_wait3A_436 = tpu.memref_slice %arg2[%dma_wait3A_434, %dma_wait3A_435] : memref<1000000x32xf32, #tpu.memory_space<hbm>> -> memref<1000000x32xf32, #tpu.memory_space<hbm>>
      tpu.wait_indirect_dma semaphore(%arg16 : memref<!tpu.dma_semaphore, #tpu.memory_space<semaphore_mem>>) src(%dma_wait3A_436 : memref<1000000x32xf32, #tpu.memory_space<hbm>>) dst(%dma_wait3A_430 : memref<128x32xf32, #tpu.memory_space<vmem>>)
      %dma_wait3A_437 = arith.constant 768 : i32
      %dma_wait3A_438 = arith.constant 0 : i32
      %dma_wait3A_439 = tpu.memref_slice %arg14[%dma_wait3A_437, %dma_wait3A_438] : memref<2048x32xf32, #tpu.memory_space<vmem>> -> memref<128x32xf32, #tpu.memory_space<vmem>>
      %dma_wait3A_440 = arith.constant 0 : i32
      %dma_wait3A_441 = tpu.memref_slice %arg12[%add3A_256, %dma_wait3A_440] : memref<80x128xi32, #tpu.memory_space<vmem>> -> memref<1x128xi32, #tpu.memory_space<vmem>>
      %dma_wait3A_442 = tpu.memref_squeeze %dma_wait3A_441 : memref<1x128xi32, #tpu.memory_space<vmem>> -> memref<128xi32, #tpu.memory_space<vmem>>
      %dma_wait3A_443 = arith.constant 0 : i32
      %dma_wait3A_444 = arith.constant 0 : i32
      %dma_wait3A_445 = tpu.memref_slice %arg2[%dma_wait3A_443, %dma_wait3A_444] : memref<1000000x32xf32, #tpu.memory_space<hbm>> -> memref<1000000x32xf32, #tpu.memory_space<hbm>>
      tpu.wait_indirect_dma semaphore(%arg16 : memref<!tpu.dma_semaphore, #tpu.memory_space<semaphore_mem>>) src(%dma_wait3A_445 : memref<1000000x32xf32, #tpu.memory_space<hbm>>) dst(%dma_wait3A_439 : memref<128x32xf32, #tpu.memory_space<vmem>>)
      %dma_wait3A_446 = arith.constant 896 : i32
      %dma_wait3A_447 = arith.constant 0 : i32
      %dma_wait3A_448 = tpu.memref_slice %arg14[%dma_wait3A_446, %dma_wait3A_447] : memref<2048x32xf32, #tpu.memory_space<vmem>> -> memref<128x32xf32, #tpu.memory_space<vmem>>
      %dma_wait3A_449 = arith.constant 0 : i32
      %dma_wait3A_450 = tpu.memref_slice %arg12[%add3A_269, %dma_wait3A_449] : memref<80x128xi32, #tpu.memory_space<vmem>> -> memref<1x128xi32, #tpu.memory_space<vmem>>
      %dma_wait3A_451 = tpu.memref_squeeze %dma_wait3A_450 : memref<1x128xi32, #tpu.memory_space<vmem>> -> memref<128xi32, #tpu.memory_space<vmem>>
      %dma_wait3A_452 = arith.constant 0 : i32
      %dma_wait3A_453 = arith.constant 0 : i32
      %dma_wait3A_454 = tpu.memref_slice %arg2[%dma_wait3A_452, %dma_wait3A_453] : memref<1000000x32xf32, #tpu.memory_space<hbm>> -> memref<1000000x32xf32, #tpu.memory_space<hbm>>
      tpu.wait_indirect_dma semaphore(%arg16 : memref<!tpu.dma_semaphore, #tpu.memory_space<semaphore_mem>>) src(%dma_wait3A_454 : memref<1000000x32xf32, #tpu.memory_space<hbm>>) dst(%dma_wait3A_448 : memref<128x32xf32, #tpu.memory_space<vmem>>)
      %dma_wait3A_455 = arith.constant 1024 : i32
      %dma_wait3A_456 = arith.constant 0 : i32
      %dma_wait3A_457 = tpu.memref_slice %arg14[%dma_wait3A_455, %dma_wait3A_456] : memref<2048x32xf32, #tpu.memory_space<vmem>> -> memref<128x32xf32, #tpu.memory_space<vmem>>
      %dma_wait3A_458 = arith.constant 0 : i32
      %dma_wait3A_459 = tpu.memref_slice %arg12[%add3A_282, %dma_wait3A_458] : memref<80x128xi32, #tpu.memory_space<vmem>> -> memref<1x128xi32, #tpu.memory_space<vmem>>
      %dma_wait3A_460 = tpu.memref_squeeze %dma_wait3A_459 : memref<1x128xi32, #tpu.memory_space<vmem>> -> memref<128xi32, #tpu.memory_space<vmem>>
      %dma_wait3A_461 = arith.constant 0 : i32
      %dma_wait3A_462 = arith.constant 0 : i32
      %dma_wait3A_463 = tpu.memref_slice %arg2[%dma_wait3A_461, %dma_wait3A_462] : memref<1000000x32xf32, #tpu.memory_space<hbm>> -> memref<1000000x32xf32, #tpu.memory_space<hbm>>
      tpu.wait_indirect_dma semaphore(%arg16 : memref<!tpu.dma_semaphore, #tpu.memory_space<semaphore_mem>>) src(%dma_wait3A_463 : memref<1000000x32xf32, #tpu.memory_space<hbm>>) dst(%dma_wait3A_457 : memref<128x32xf32, #tpu.memory_space<vmem>>)
      %dma_wait3A_464 = arith.constant 1152 : i32
      %dma_wait3A_465 = arith.constant 0 : i32
      %dma_wait3A_466 = tpu.memref_slice %arg14[%dma_wait3A_464, %dma_wait3A_465] : memref<2048x32xf32, #tpu.memory_space<vmem>> -> memref<128x32xf32, #tpu.memory_space<vmem>>
      %dma_wait3A_467 = arith.constant 0 : i32
      %dma_wait3A_468 = tpu.memref_slice %arg12[%add3A_295, %dma_wait3A_467] : memref<80x128xi32, #tpu.memory_space<vmem>> -> memref<1x128xi32, #tpu.memory_space<vmem>>
      %dma_wait3A_469 = tpu.memref_squeeze %dma_wait3A_468 : memref<1x128xi32, #tpu.memory_space<vmem>> -> memref<128xi32, #tpu.memory_space<vmem>>
      %dma_wait3A_470 = arith.constant 0 : i32
      %dma_wait3A_471 = arith.constant 0 : i32
      %dma_wait3A_472 = tpu.memref_slice %arg2[%dma_wait3A_470, %dma_wait3A_471] : memref<1000000x32xf32, #tpu.memory_space<hbm>> -> memref<1000000x32xf32, #tpu.memory_space<hbm>>
      tpu.wait_indirect_dma semaphore(%arg16 : memref<!tpu.dma_semaphore, #tpu.memory_space<semaphore_mem>>) src(%dma_wait3A_472 : memref<1000000x32xf32, #tpu.memory_space<hbm>>) dst(%dma_wait3A_466 : memref<128x32xf32, #tpu.memory_space<vmem>>)
      %dma_wait3A_473 = arith.constant 1280 : i32
      %dma_wait3A_474 = arith.constant 0 : i32
      %dma_wait3A_475 = tpu.memref_slice %arg14[%dma_wait3A_473, %dma_wait3A_474] : memref<2048x32xf32, #tpu.memory_space<vmem>> -> memref<128x32xf32, #tpu.memory_space<vmem>>
      %dma_wait3A_476 = arith.constant 0 : i32
      %dma_wait3A_477 = tpu.memref_slice %arg12[%add3A_308, %dma_wait3A_476] : memref<80x128xi32, #tpu.memory_space<vmem>> -> memref<1x128xi32, #tpu.memory_space<vmem>>
      %dma_wait3A_478 = tpu.memref_squeeze %dma_wait3A_477 : memref<1x128xi32, #tpu.memory_space<vmem>> -> memref<128xi32, #tpu.memory_space<vmem>>
      %dma_wait3A_479 = arith.constant 0 : i32
      %dma_wait3A_480 = arith.constant 0 : i32
      %dma_wait3A_481 = tpu.memref_slice %arg2[%dma_wait3A_479, %dma_wait3A_480] : memref<1000000x32xf32, #tpu.memory_space<hbm>> -> memref<1000000x32xf32, #tpu.memory_space<hbm>>
      tpu.wait_indirect_dma semaphore(%arg16 : memref<!tpu.dma_semaphore, #tpu.memory_space<semaphore_mem>>) src(%dma_wait3A_481 : memref<1000000x32xf32, #tpu.memory_space<hbm>>) dst(%dma_wait3A_475 : memref<128x32xf32, #tpu.memory_space<vmem>>)
      %dma_wait3A_482 = arith.constant 1408 : i32
      %dma_wait3A_483 = arith.constant 0 : i32
      %dma_wait3A_484 = tpu.memref_slice %arg14[%dma_wait3A_482, %dma_wait3A_483] : memref<2048x32xf32, #tpu.memory_space<vmem>> -> memref<128x32xf32, #tpu.memory_space<vmem>>
      %dma_wait3A_485 = arith.constant 0 : i32
      %dma_wait3A_486 = tpu.memref_slice %arg12[%add3A_321, %dma_wait3A_485] : memref<80x128xi32, #tpu.memory_space<vmem>> -> memref<1x128xi32, #tpu.memory_space<vmem>>
      %dma_wait3A_487 = tpu.memref_squeeze %dma_wait3A_486 : memref<1x128xi32, #tpu.memory_space<vmem>> -> memref<128xi32, #tpu.memory_space<vmem>>
      %dma_wait3A_488 = arith.constant 0 : i32
      %dma_wait3A_489 = arith.constant 0 : i32
      %dma_wait3A_490 = tpu.memref_slice %arg2[%dma_wait3A_488, %dma_wait3A_489] : memref<1000000x32xf32, #tpu.memory_space<hbm>> -> memref<1000000x32xf32, #tpu.memory_space<hbm>>
      tpu.wait_indirect_dma semaphore(%arg16 : memref<!tpu.dma_semaphore, #tpu.memory_space<semaphore_mem>>) src(%dma_wait3A_490 : memref<1000000x32xf32, #tpu.memory_space<hbm>>) dst(%dma_wait3A_484 : memref<128x32xf32, #tpu.memory_space<vmem>>)
      %dma_wait3A_491 = arith.constant 1536 : i32
      %dma_wait3A_492 = arith.constant 0 : i32
      %dma_wait3A_493 = tpu.memref_slice %arg14[%dma_wait3A_491, %dma_wait3A_492] : memref<2048x32xf32, #tpu.memory_space<vmem>> -> memref<128x32xf32, #tpu.memory_space<vmem>>
      %dma_wait3A_494 = arith.constant 0 : i32
      %dma_wait3A_495 = tpu.memref_slice %arg12[%add3A_334, %dma_wait3A_494] : memref<80x128xi32, #tpu.memory_space<vmem>> -> memref<1x128xi32, #tpu.memory_space<vmem>>
      %dma_wait3A_496 = tpu.memref_squeeze %dma_wait3A_495 : memref<1x128xi32, #tpu.memory_space<vmem>> -> memref<128xi32, #tpu.memory_space<vmem>>
      %dma_wait3A_497 = arith.constant 0 : i32
      %dma_wait3A_498 = arith.constant 0 : i32
      %dma_wait3A_499 = tpu.memref_slice %arg2[%dma_wait3A_497, %dma_wait3A_498] : memref<1000000x32xf32, #tpu.memory_space<hbm>> -> memref<1000000x32xf32, #tpu.memory_space<hbm>>
      tpu.wait_indirect_dma semaphore(%arg16 : memref<!tpu.dma_semaphore, #tpu.memory_space<semaphore_mem>>) src(%dma_wait3A_499 : memref<1000000x32xf32, #tpu.memory_space<hbm>>) dst(%dma_wait3A_493 : memref<128x32xf32, #tpu.memory_space<vmem>>)
      %dma_wait3A_500 = arith.constant 1664 : i32
      %dma_wait3A_501 = arith.constant 0 : i32
      %dma_wait3A_502 = tpu.memref_slice %arg14[%dma_wait3A_500, %dma_wait3A_501] : memref<2048x32xf32, #tpu.memory_space<vmem>> -> memref<128x32xf32, #tpu.memory_space<vmem>>
      %dma_wait3A_503 = arith.constant 0 : i32
      %dma_wait3A_504 = tpu.memref_slice %arg12[%add3A_347, %dma_wait3A_503] : memref<80x128xi32, #tpu.memory_space<vmem>> -> memref<1x128xi32, #tpu.memory_space<vmem>>
      %dma_wait3A_505 = tpu.memref_squeeze %dma_wait3A_504 : memref<1x128xi32, #tpu.memory_space<vmem>> -> memref<128xi32, #tpu.memory_space<vmem>>
      %dma_wait3A_506 = arith.constant 0 : i32
      %dma_wait3A_507 = arith.constant 0 : i32
      %dma_wait3A_508 = tpu.memref_slice %arg2[%dma_wait3A_506, %dma_wait3A_507] : memref<1000000x32xf32, #tpu.memory_space<hbm>> -> memref<1000000x32xf32, #tpu.memory_space<hbm>>
      tpu.wait_indirect_dma semaphore(%arg16 : memref<!tpu.dma_semaphore, #tpu.memory_space<semaphore_mem>>) src(%dma_wait3A_508 : memref<1000000x32xf32, #tpu.memory_space<hbm>>) dst(%dma_wait3A_502 : memref<128x32xf32, #tpu.memory_space<vmem>>)
      %dma_wait3A_509 = arith.constant 1792 : i32
      %dma_wait3A_510 = arith.constant 0 : i32
      %dma_wait3A_511 = tpu.memref_slice %arg14[%dma_wait3A_509, %dma_wait3A_510] : memref<2048x32xf32, #tpu.memory_space<vmem>> -> memref<128x32xf32, #tpu.memory_space<vmem>>
      %dma_wait3A_512 = arith.constant 0 : i32
      %dma_wait3A_513 = tpu.memref_slice %arg12[%add3A_360, %dma_wait3A_512] : memref<80x128xi32, #tpu.memory_space<vmem>> -> memref<1x128xi32, #tpu.memory_space<vmem>>
      %dma_wait3A_514 = tpu.memref_squeeze %dma_wait3A_513 : memref<1x128xi32, #tpu.memory_space<vmem>> -> memref<128xi32, #tpu.memory_space<vmem>>
      %dma_wait3A_515 = arith.constant 0 : i32
      %dma_wait3A_516 = arith.constant 0 : i32
      %dma_wait3A_517 = tpu.memref_slice %arg2[%dma_wait3A_515, %dma_wait3A_516] : memref<1000000x32xf32, #tpu.memory_space<hbm>> -> memref<1000000x32xf32, #tpu.memory_space<hbm>>
      tpu.wait_indirect_dma semaphore(%arg16 : memref<!tpu.dma_semaphore, #tpu.memory_space<semaphore_mem>>) src(%dma_wait3A_517 : memref<1000000x32xf32, #tpu.memory_space<hbm>>) dst(%dma_wait3A_511 : memref<128x32xf32, #tpu.memory_space<vmem>>)
      %dma_wait3A_518 = arith.constant 1920 : i32
      %dma_wait3A_519 = arith.constant 0 : i32
      %dma_wait3A_520 = tpu.memref_slice %arg14[%dma_wait3A_518, %dma_wait3A_519] : memref<2048x32xf32, #tpu.memory_space<vmem>> -> memref<128x32xf32, #tpu.memory_space<vmem>>
      %dma_wait3A_521 = arith.constant 0 : i32
      %dma_wait3A_522 = tpu.memref_slice %arg12[%add3A_373, %dma_wait3A_521] : memref<80x128xi32, #tpu.memory_space<vmem>> -> memref<1x128xi32, #tpu.memory_space<vmem>>
      %dma_wait3A_523 = tpu.memref_squeeze %dma_wait3A_522 : memref<1x128xi32, #tpu.memory_space<vmem>> -> memref<128xi32, #tpu.memory_space<vmem>>
      %dma_wait3A_524 = arith.constant 0 : i32
      %dma_wait3A_525 = arith.constant 0 : i32
      %dma_wait3A_526 = tpu.memref_slice %arg2[%dma_wait3A_524, %dma_wait3A_525] : memref<1000000x32xf32, #tpu.memory_space<hbm>> -> memref<1000000x32xf32, #tpu.memory_space<hbm>>
      tpu.wait_indirect_dma semaphore(%arg16 : memref<!tpu.dma_semaphore, #tpu.memory_space<semaphore_mem>>) src(%dma_wait3A_526 : memref<1000000x32xf32, #tpu.memory_space<hbm>>) dst(%dma_wait3A_520 : memref<128x32xf32, #tpu.memory_space<vmem>>)
      %mul3A_527 = arith.constant 2048 : i32
      %mul3A_528 = arith.muli %scan3A_174, %mul3A_527 : i32
      %add3A_529 = arith.addi %mul3A_2, %mul3A_528 : i32
      "tpu.region"() ({
        %run_scoped3A = tpu.sem_alloc : memref<!tpu.dma_semaphore, #tpu.memory_space<semaphore_mem>>
        %dma_start3A_530 = arith.constant 0 : i32
        %dma_start3A_531 = tpu.memref_slice %arg8[%add3A_529, %dma_start3A_530] : memref<327680x32xf32, #tpu.memory_space<hbm>> -> memref<2048x32xf32, #tpu.memory_space<hbm>>
        %dma_start3A_532 = arith.constant 0 : i32
        %dma_start3A_533 = tpu.memref_slice %arg8[%add3A_529, %dma_start3A_532] : memref<327680x32xf32, #tpu.memory_space<hbm>> -> memref<2048x32xf32, #tpu.memory_space<hbm>>
        tpu.enqueue_dma source(%arg14 : memref<2048x32xf32, #tpu.memory_space<vmem>>) target(%dma_start3A_533 : memref<2048x32xf32, #tpu.memory_space<hbm>>) target_semaphore(%run_scoped3A : memref<!tpu.dma_semaphore, #tpu.memory_space<semaphore_mem>>)
        %dma_wait3A_534 = arith.constant 0 : i32
        %dma_wait3A_535 = tpu.memref_slice %arg8[%add3A_529, %dma_wait3A_534] : memref<327680x32xf32, #tpu.memory_space<hbm>> -> memref<2048x32xf32, #tpu.memory_space<hbm>>
        %dma_wait3A_536 = arith.constant 0 : i32
        %dma_wait3A_537 = tpu.memref_slice %arg8[%add3A_529, %dma_wait3A_536] : memref<327680x32xf32, #tpu.memory_space<hbm>> -> memref<2048x32xf32, #tpu.memory_space<hbm>>
        tpu.wait_dma2 semaphore(%run_scoped3A : memref<!tpu.dma_semaphore, #tpu.memory_space<semaphore_mem>>) src(%arg14 : memref<2048x32xf32, #tpu.memory_space<vmem>>) dst(%dma_wait3A_537 : memref<2048x32xf32, #tpu.memory_space<hbm>>)
        tpu.yield
      }) : () -> ()
    }
    %scan3A_9 = arith.constant 5 : i32
    %scan3A_10 = arith.constant 0 : i32
    %scan3A_11 = arith.constant 0 : i32
    %scan3A_12 = arith.constant 5 : i32
    %scan3A_13 = arith.addi %scan3A_11, %scan3A_12 : i32
    %scan3A_14 = arith.constant 1 : i32
    scf.for %scan3A_174 = %scan3A_11 to %scan3A_13 step %scan3A_14  : i32 {
      %mul3A_175 = arith.constant 16 : i32
      %mul3A_176 = arith.muli %scan3A_174, %mul3A_175 : i32
      %add3A_177 = arith.constant 0 : i32
      %add3A_178 = arith.addi %mul3A_176, %add3A_177 : i32
      %dma_start3A_179 = arith.constant 0 : i32
      %dma_start3A_180 = arith.constant 0 : i32
      %dma_start3A_181 = tpu.memref_slice %arg14[%dma_start3A_179, %dma_start3A_180] : memref<2048x32xf32, #tpu.memory_space<vmem>> -> memref<128x32xf32, #tpu.memory_space<vmem>>
      %dma_start3A_182 = arith.constant 0 : i32
      %dma_start3A_183 = tpu.memref_slice %arg12[%add3A_178, %dma_start3A_182] : memref<80x128xi32, #tpu.memory_space<vmem>> -> memref<1x128xi32, #tpu.memory_space<vmem>>
      %dma_start3A_184 = tpu.memref_squeeze %dma_start3A_183 : memref<1x128xi32, #tpu.memory_space<vmem>> -> memref<128xi32, #tpu.memory_space<vmem>>
      %dma_start3A_185 = arith.constant 0 : i32
      %dma_start3A_186 = arith.constant 0 : i32
      %dma_start3A_187 = tpu.memref_slice %arg3[%dma_start3A_185, %dma_start3A_186] : memref<1000000x32xf32, #tpu.memory_space<hbm>> -> memref<1000000x32xf32, #tpu.memory_space<hbm>>
      tpu.enqueue_indirect_dma source(%dma_start3A_187 : memref<1000000x32xf32, #tpu.memory_space<hbm>>) target(%dma_start3A_181 : memref<128x32xf32, #tpu.memory_space<vmem>>) offsets(%dma_start3A_184 : memref<128xi32, #tpu.memory_space<vmem>>) semaphore(%arg16 : memref<!tpu.dma_semaphore, #tpu.memory_space<semaphore_mem>>)
      %mul3A_188 = arith.constant 16 : i32
      %mul3A_189 = arith.muli %scan3A_174, %mul3A_188 : i32
      %add3A_190 = arith.constant 1 : i32
      %add3A_191 = arith.addi %mul3A_189, %add3A_190 : i32
      %dma_start3A_192 = arith.constant 128 : i32
      %dma_start3A_193 = arith.constant 0 : i32
      %dma_start3A_194 = tpu.memref_slice %arg14[%dma_start3A_192, %dma_start3A_193] : memref<2048x32xf32, #tpu.memory_space<vmem>> -> memref<128x32xf32, #tpu.memory_space<vmem>>
      %dma_start3A_195 = arith.constant 0 : i32
      %dma_start3A_196 = tpu.memref_slice %arg12[%add3A_191, %dma_start3A_195] : memref<80x128xi32, #tpu.memory_space<vmem>> -> memref<1x128xi32, #tpu.memory_space<vmem>>
      %dma_start3A_197 = tpu.memref_squeeze %dma_start3A_196 : memref<1x128xi32, #tpu.memory_space<vmem>> -> memref<128xi32, #tpu.memory_space<vmem>>
      %dma_start3A_198 = arith.constant 0 : i32
      %dma_start3A_199 = arith.constant 0 : i32
      %dma_start3A_200 = tpu.memref_slice %arg3[%dma_start3A_198, %dma_start3A_199] : memref<1000000x32xf32, #tpu.memory_space<hbm>> -> memref<1000000x32xf32, #tpu.memory_space<hbm>>
      tpu.enqueue_indirect_dma source(%dma_start3A_200 : memref<1000000x32xf32, #tpu.memory_space<hbm>>) target(%dma_start3A_194 : memref<128x32xf32, #tpu.memory_space<vmem>>) offsets(%dma_start3A_197 : memref<128xi32, #tpu.memory_space<vmem>>) semaphore(%arg16 : memref<!tpu.dma_semaphore, #tpu.memory_space<semaphore_mem>>)
      %mul3A_201 = arith.constant 16 : i32
      %mul3A_202 = arith.muli %scan3A_174, %mul3A_201 : i32
      %add3A_203 = arith.constant 2 : i32
      %add3A_204 = arith.addi %mul3A_202, %add3A_203 : i32
      %dma_start3A_205 = arith.constant 256 : i32
      %dma_start3A_206 = arith.constant 0 : i32
      %dma_start3A_207 = tpu.memref_slice %arg14[%dma_start3A_205, %dma_start3A_206] : memref<2048x32xf32, #tpu.memory_space<vmem>> -> memref<128x32xf32, #tpu.memory_space<vmem>>
      %dma_start3A_208 = arith.constant 0 : i32
      %dma_start3A_209 = tpu.memref_slice %arg12[%add3A_204, %dma_start3A_208] : memref<80x128xi32, #tpu.memory_space<vmem>> -> memref<1x128xi32, #tpu.memory_space<vmem>>
      %dma_start3A_210 = tpu.memref_squeeze %dma_start3A_209 : memref<1x128xi32, #tpu.memory_space<vmem>> -> memref<128xi32, #tpu.memory_space<vmem>>
      %dma_start3A_211 = arith.constant 0 : i32
      %dma_start3A_212 = arith.constant 0 : i32
      %dma_start3A_213 = tpu.memref_slice %arg3[%dma_start3A_211, %dma_start3A_212] : memref<1000000x32xf32, #tpu.memory_space<hbm>> -> memref<1000000x32xf32, #tpu.memory_space<hbm>>
      tpu.enqueue_indirect_dma source(%dma_start3A_213 : memref<1000000x32xf32, #tpu.memory_space<hbm>>) target(%dma_start3A_207 : memref<128x32xf32, #tpu.memory_space<vmem>>) offsets(%dma_start3A_210 : memref<128xi32, #tpu.memory_space<vmem>>) semaphore(%arg16 : memref<!tpu.dma_semaphore, #tpu.memory_space<semaphore_mem>>)
      %mul3A_214 = arith.constant 16 : i32
      %mul3A_215 = arith.muli %scan3A_174, %mul3A_214 : i32
      %add3A_216 = arith.constant 3 : i32
      %add3A_217 = arith.addi %mul3A_215, %add3A_216 : i32
      %dma_start3A_218 = arith.constant 384 : i32
      %dma_start3A_219 = arith.constant 0 : i32
      %dma_start3A_220 = tpu.memref_slice %arg14[%dma_start3A_218, %dma_start3A_219] : memref<2048x32xf32, #tpu.memory_space<vmem>> -> memref<128x32xf32, #tpu.memory_space<vmem>>
      %dma_start3A_221 = arith.constant 0 : i32
      %dma_start3A_222 = tpu.memref_slice %arg12[%add3A_217, %dma_start3A_221] : memref<80x128xi32, #tpu.memory_space<vmem>> -> memref<1x128xi32, #tpu.memory_space<vmem>>
      %dma_start3A_223 = tpu.memref_squeeze %dma_start3A_222 : memref<1x128xi32, #tpu.memory_space<vmem>> -> memref<128xi32, #tpu.memory_space<vmem>>
      %dma_start3A_224 = arith.constant 0 : i32
      %dma_start3A_225 = arith.constant 0 : i32
      %dma_start3A_226 = tpu.memref_slice %arg3[%dma_start3A_224, %dma_start3A_225] : memref<1000000x32xf32, #tpu.memory_space<hbm>> -> memref<1000000x32xf32, #tpu.memory_space<hbm>>
      tpu.enqueue_indirect_dma source(%dma_start3A_226 : memref<1000000x32xf32, #tpu.memory_space<hbm>>) target(%dma_start3A_220 : memref<128x32xf32, #tpu.memory_space<vmem>>) offsets(%dma_start3A_223 : memref<128xi32, #tpu.memory_space<vmem>>) semaphore(%arg16 : memref<!tpu.dma_semaphore, #tpu.memory_space<semaphore_mem>>)
      %mul3A_227 = arith.constant 16 : i32
      %mul3A_228 = arith.muli %scan3A_174, %mul3A_227 : i32
      %add3A_229 = arith.constant 4 : i32
      %add3A_230 = arith.addi %mul3A_228, %add3A_229 : i32
      %dma_start3A_231 = arith.constant 512 : i32
      %dma_start3A_232 = arith.constant 0 : i32
      %dma_start3A_233 = tpu.memref_slice %arg14[%dma_start3A_231, %dma_start3A_232] : memref<2048x32xf32, #tpu.memory_space<vmem>> -> memref<128x32xf32, #tpu.memory_space<vmem>>
      %dma_start3A_234 = arith.constant 0 : i32
      %dma_start3A_235 = tpu.memref_slice %arg12[%add3A_230, %dma_start3A_234] : memref<80x128xi32, #tpu.memory_space<vmem>> -> memref<1x128xi32, #tpu.memory_space<vmem>>
      %dma_start3A_236 = tpu.memref_squeeze %dma_start3A_235 : memref<1x128xi32, #tpu.memory_space<vmem>> -> memref<128xi32, #tpu.memory_space<vmem>>
      %dma_start3A_237 = arith.constant 0 : i32
      %dma_start3A_238 = arith.constant 0 : i32
      %dma_start3A_239 = tpu.memref_slice %arg3[%dma_start3A_237, %dma_start3A_238] : memref<1000000x32xf32, #tpu.memory_space<hbm>> -> memref<1000000x32xf32, #tpu.memory_space<hbm>>
      tpu.enqueue_indirect_dma source(%dma_start3A_239 : memref<1000000x32xf32, #tpu.memory_space<hbm>>) target(%dma_start3A_233 : memref<128x32xf32, #tpu.memory_space<vmem>>) offsets(%dma_start3A_236 : memref<128xi32, #tpu.memory_space<vmem>>) semaphore(%arg16 : memref<!tpu.dma_semaphore, #tpu.memory_space<semaphore_mem>>)
      %mul3A_240 = arith.constant 16 : i32
      %mul3A_241 = arith.muli %scan3A_174, %mul3A_240 : i32
      %add3A_242 = arith.constant 5 : i32
      %add3A_243 = arith.addi %mul3A_241, %add3A_242 : i32
      %dma_start3A_244 = arith.constant 640 : i32
      %dma_start3A_245 = arith.constant 0 : i32
      %dma_start3A_246 = tpu.memref_slice %arg14[%dma_start3A_244, %dma_start3A_245] : memref<2048x32xf32, #tpu.memory_space<vmem>> -> memref<128x32xf32, #tpu.memory_space<vmem>>
      %dma_start3A_247 = arith.constant 0 : i32
      %dma_start3A_248 = tpu.memref_slice %arg12[%add3A_243, %dma_start3A_247] : memref<80x128xi32, #tpu.memory_space<vmem>> -> memref<1x128xi32, #tpu.memory_space<vmem>>
      %dma_start3A_249 = tpu.memref_squeeze %dma_start3A_248 : memref<1x128xi32, #tpu.memory_space<vmem>> -> memref<128xi32, #tpu.memory_space<vmem>>
      %dma_start3A_250 = arith.constant 0 : i32
      %dma_start3A_251 = arith.constant 0 : i32
      %dma_start3A_252 = tpu.memref_slice %arg3[%dma_start3A_250, %dma_start3A_251] : memref<1000000x32xf32, #tpu.memory_space<hbm>> -> memref<1000000x32xf32, #tpu.memory_space<hbm>>
      tpu.enqueue_indirect_dma source(%dma_start3A_252 : memref<1000000x32xf32, #tpu.memory_space<hbm>>) target(%dma_start3A_246 : memref<128x32xf32, #tpu.memory_space<vmem>>) offsets(%dma_start3A_249 : memref<128xi32, #tpu.memory_space<vmem>>) semaphore(%arg16 : memref<!tpu.dma_semaphore, #tpu.memory_space<semaphore_mem>>)
      %mul3A_253 = arith.constant 16 : i32
      %mul3A_254 = arith.muli %scan3A_174, %mul3A_253 : i32
      %add3A_255 = arith.constant 6 : i32
      %add3A_256 = arith.addi %mul3A_254, %add3A_255 : i32
      %dma_start3A_257 = arith.constant 768 : i32
      %dma_start3A_258 = arith.constant 0 : i32
      %dma_start3A_259 = tpu.memref_slice %arg14[%dma_start3A_257, %dma_start3A_258] : memref<2048x32xf32, #tpu.memory_space<vmem>> -> memref<128x32xf32, #tpu.memory_space<vmem>>
      %dma_start3A_260 = arith.constant 0 : i32
      %dma_start3A_261 = tpu.memref_slice %arg12[%add3A_256, %dma_start3A_260] : memref<80x128xi32, #tpu.memory_space<vmem>> -> memref<1x128xi32, #tpu.memory_space<vmem>>
      %dma_start3A_262 = tpu.memref_squeeze %dma_start3A_261 : memref<1x128xi32, #tpu.memory_space<vmem>> -> memref<128xi32, #tpu.memory_space<vmem>>
      %dma_start3A_263 = arith.constant 0 : i32
      %dma_start3A_264 = arith.constant 0 : i32
      %dma_start3A_265 = tpu.memref_slice %arg3[%dma_start3A_263, %dma_start3A_264] : memref<1000000x32xf32, #tpu.memory_space<hbm>> -> memref<1000000x32xf32, #tpu.memory_space<hbm>>
      tpu.enqueue_indirect_dma source(%dma_start3A_265 : memref<1000000x32xf32, #tpu.memory_space<hbm>>) target(%dma_start3A_259 : memref<128x32xf32, #tpu.memory_space<vmem>>) offsets(%dma_start3A_262 : memref<128xi32, #tpu.memory_space<vmem>>) semaphore(%arg16 : memref<!tpu.dma_semaphore, #tpu.memory_space<semaphore_mem>>)
      %mul3A_266 = arith.constant 16 : i32
      %mul3A_267 = arith.muli %scan3A_174, %mul3A_266 : i32
      %add3A_268 = arith.constant 7 : i32
      %add3A_269 = arith.addi %mul3A_267, %add3A_268 : i32
      %dma_start3A_270 = arith.constant 896 : i32
      %dma_start3A_271 = arith.constant 0 : i32
      %dma_start3A_272 = tpu.memref_slice %arg14[%dma_start3A_270, %dma_start3A_271] : memref<2048x32xf32, #tpu.memory_space<vmem>> -> memref<128x32xf32, #tpu.memory_space<vmem>>
      %dma_start3A_273 = arith.constant 0 : i32
      %dma_start3A_274 = tpu.memref_slice %arg12[%add3A_269, %dma_start3A_273] : memref<80x128xi32, #tpu.memory_space<vmem>> -> memref<1x128xi32, #tpu.memory_space<vmem>>
      %dma_start3A_275 = tpu.memref_squeeze %dma_start3A_274 : memref<1x128xi32, #tpu.memory_space<vmem>> -> memref<128xi32, #tpu.memory_space<vmem>>
      %dma_start3A_276 = arith.constant 0 : i32
      %dma_start3A_277 = arith.constant 0 : i32
      %dma_start3A_278 = tpu.memref_slice %arg3[%dma_start3A_276, %dma_start3A_277] : memref<1000000x32xf32, #tpu.memory_space<hbm>> -> memref<1000000x32xf32, #tpu.memory_space<hbm>>
      tpu.enqueue_indirect_dma source(%dma_start3A_278 : memref<1000000x32xf32, #tpu.memory_space<hbm>>) target(%dma_start3A_272 : memref<128x32xf32, #tpu.memory_space<vmem>>) offsets(%dma_start3A_275 : memref<128xi32, #tpu.memory_space<vmem>>) semaphore(%arg16 : memref<!tpu.dma_semaphore, #tpu.memory_space<semaphore_mem>>)
      %mul3A_279 = arith.constant 16 : i32
      %mul3A_280 = arith.muli %scan3A_174, %mul3A_279 : i32
      %add3A_281 = arith.constant 8 : i32
      %add3A_282 = arith.addi %mul3A_280, %add3A_281 : i32
      %dma_start3A_283 = arith.constant 1024 : i32
      %dma_start3A_284 = arith.constant 0 : i32
      %dma_start3A_285 = tpu.memref_slice %arg14[%dma_start3A_283, %dma_start3A_284] : memref<2048x32xf32, #tpu.memory_space<vmem>> -> memref<128x32xf32, #tpu.memory_space<vmem>>
      %dma_start3A_286 = arith.constant 0 : i32
      %dma_start3A_287 = tpu.memref_slice %arg12[%add3A_282, %dma_start3A_286] : memref<80x128xi32, #tpu.memory_space<vmem>> -> memref<1x128xi32, #tpu.memory_space<vmem>>
      %dma_start3A_288 = tpu.memref_squeeze %dma_start3A_287 : memref<1x128xi32, #tpu.memory_space<vmem>> -> memref<128xi32, #tpu.memory_space<vmem>>
      %dma_start3A_289 = arith.constant 0 : i32
      %dma_start3A_290 = arith.constant 0 : i32
      %dma_start3A_291 = tpu.memref_slice %arg3[%dma_start3A_289, %dma_start3A_290] : memref<1000000x32xf32, #tpu.memory_space<hbm>> -> memref<1000000x32xf32, #tpu.memory_space<hbm>>
      tpu.enqueue_indirect_dma source(%dma_start3A_291 : memref<1000000x32xf32, #tpu.memory_space<hbm>>) target(%dma_start3A_285 : memref<128x32xf32, #tpu.memory_space<vmem>>) offsets(%dma_start3A_288 : memref<128xi32, #tpu.memory_space<vmem>>) semaphore(%arg16 : memref<!tpu.dma_semaphore, #tpu.memory_space<semaphore_mem>>)
      %mul3A_292 = arith.constant 16 : i32
      %mul3A_293 = arith.muli %scan3A_174, %mul3A_292 : i32
      %add3A_294 = arith.constant 9 : i32
      %add3A_295 = arith.addi %mul3A_293, %add3A_294 : i32
      %dma_start3A_296 = arith.constant 1152 : i32
      %dma_start3A_297 = arith.constant 0 : i32
      %dma_start3A_298 = tpu.memref_slice %arg14[%dma_start3A_296, %dma_start3A_297] : memref<2048x32xf32, #tpu.memory_space<vmem>> -> memref<128x32xf32, #tpu.memory_space<vmem>>
      %dma_start3A_299 = arith.constant 0 : i32
      %dma_start3A_300 = tpu.memref_slice %arg12[%add3A_295, %dma_start3A_299] : memref<80x128xi32, #tpu.memory_space<vmem>> -> memref<1x128xi32, #tpu.memory_space<vmem>>
      %dma_start3A_301 = tpu.memref_squeeze %dma_start3A_300 : memref<1x128xi32, #tpu.memory_space<vmem>> -> memref<128xi32, #tpu.memory_space<vmem>>
      %dma_start3A_302 = arith.constant 0 : i32
      %dma_start3A_303 = arith.constant 0 : i32
      %dma_start3A_304 = tpu.memref_slice %arg3[%dma_start3A_302, %dma_start3A_303] : memref<1000000x32xf32, #tpu.memory_space<hbm>> -> memref<1000000x32xf32, #tpu.memory_space<hbm>>
      tpu.enqueue_indirect_dma source(%dma_start3A_304 : memref<1000000x32xf32, #tpu.memory_space<hbm>>) target(%dma_start3A_298 : memref<128x32xf32, #tpu.memory_space<vmem>>) offsets(%dma_start3A_301 : memref<128xi32, #tpu.memory_space<vmem>>) semaphore(%arg16 : memref<!tpu.dma_semaphore, #tpu.memory_space<semaphore_mem>>)
      %mul3A_305 = arith.constant 16 : i32
      %mul3A_306 = arith.muli %scan3A_174, %mul3A_305 : i32
      %add3A_307 = arith.constant 10 : i32
      %add3A_308 = arith.addi %mul3A_306, %add3A_307 : i32
      %dma_start3A_309 = arith.constant 1280 : i32
      %dma_start3A_310 = arith.constant 0 : i32
      %dma_start3A_311 = tpu.memref_slice %arg14[%dma_start3A_309, %dma_start3A_310] : memref<2048x32xf32, #tpu.memory_space<vmem>> -> memref<128x32xf32, #tpu.memory_space<vmem>>
      %dma_start3A_312 = arith.constant 0 : i32
      %dma_start3A_313 = tpu.memref_slice %arg12[%add3A_308, %dma_start3A_312] : memref<80x128xi32, #tpu.memory_space<vmem>> -> memref<1x128xi32, #tpu.memory_space<vmem>>
      %dma_start3A_314 = tpu.memref_squeeze %dma_start3A_313 : memref<1x128xi32, #tpu.memory_space<vmem>> -> memref<128xi32, #tpu.memory_space<vmem>>
      %dma_start3A_315 = arith.constant 0 : i32
      %dma_start3A_316 = arith.constant 0 : i32
      %dma_start3A_317 = tpu.memref_slice %arg3[%dma_start3A_315, %dma_start3A_316] : memref<1000000x32xf32, #tpu.memory_space<hbm>> -> memref<1000000x32xf32, #tpu.memory_space<hbm>>
      tpu.enqueue_indirect_dma source(%dma_start3A_317 : memref<1000000x32xf32, #tpu.memory_space<hbm>>) target(%dma_start3A_311 : memref<128x32xf32, #tpu.memory_space<vmem>>) offsets(%dma_start3A_314 : memref<128xi32, #tpu.memory_space<vmem>>) semaphore(%arg16 : memref<!tpu.dma_semaphore, #tpu.memory_space<semaphore_mem>>)
      %mul3A_318 = arith.constant 16 : i32
      %mul3A_319 = arith.muli %scan3A_174, %mul3A_318 : i32
      %add3A_320 = arith.constant 11 : i32
      %add3A_321 = arith.addi %mul3A_319, %add3A_320 : i32
      %dma_start3A_322 = arith.constant 1408 : i32
      %dma_start3A_323 = arith.constant 0 : i32
      %dma_start3A_324 = tpu.memref_slice %arg14[%dma_start3A_322, %dma_start3A_323] : memref<2048x32xf32, #tpu.memory_space<vmem>> -> memref<128x32xf32, #tpu.memory_space<vmem>>
      %dma_start3A_325 = arith.constant 0 : i32
      %dma_start3A_326 = tpu.memref_slice %arg12[%add3A_321, %dma_start3A_325] : memref<80x128xi32, #tpu.memory_space<vmem>> -> memref<1x128xi32, #tpu.memory_space<vmem>>
      %dma_start3A_327 = tpu.memref_squeeze %dma_start3A_326 : memref<1x128xi32, #tpu.memory_space<vmem>> -> memref<128xi32, #tpu.memory_space<vmem>>
      %dma_start3A_328 = arith.constant 0 : i32
      %dma_start3A_329 = arith.constant 0 : i32
      %dma_start3A_330 = tpu.memref_slice %arg3[%dma_start3A_328, %dma_start3A_329] : memref<1000000x32xf32, #tpu.memory_space<hbm>> -> memref<1000000x32xf32, #tpu.memory_space<hbm>>
      tpu.enqueue_indirect_dma source(%dma_start3A_330 : memref<1000000x32xf32, #tpu.memory_space<hbm>>) target(%dma_start3A_324 : memref<128x32xf32, #tpu.memory_space<vmem>>) offsets(%dma_start3A_327 : memref<128xi32, #tpu.memory_space<vmem>>) semaphore(%arg16 : memref<!tpu.dma_semaphore, #tpu.memory_space<semaphore_mem>>)
      %mul3A_331 = arith.constant 16 : i32
      %mul3A_332 = arith.muli %scan3A_174, %mul3A_331 : i32
      %add3A_333 = arith.constant 12 : i32
      %add3A_334 = arith.addi %mul3A_332, %add3A_333 : i32
      %dma_start3A_335 = arith.constant 1536 : i32
      %dma_start3A_336 = arith.constant 0 : i32
      %dma_start3A_337 = tpu.memref_slice %arg14[%dma_start3A_335, %dma_start3A_336] : memref<2048x32xf32, #tpu.memory_space<vmem>> -> memref<128x32xf32, #tpu.memory_space<vmem>>
      %dma_start3A_338 = arith.constant 0 : i32
      %dma_start3A_339 = tpu.memref_slice %arg12[%add3A_334, %dma_start3A_338] : memref<80x128xi32, #tpu.memory_space<vmem>> -> memref<1x128xi32, #tpu.memory_space<vmem>>
      %dma_start3A_340 = tpu.memref_squeeze %dma_start3A_339 : memref<1x128xi32, #tpu.memory_space<vmem>> -> memref<128xi32, #tpu.memory_space<vmem>>
      %dma_start3A_341 = arith.constant 0 : i32
      %dma_start3A_342 = arith.constant 0 : i32
      %dma_start3A_343 = tpu.memref_slice %arg3[%dma_start3A_341, %dma_start3A_342] : memref<1000000x32xf32, #tpu.memory_space<hbm>> -> memref<1000000x32xf32, #tpu.memory_space<hbm>>
      tpu.enqueue_indirect_dma source(%dma_start3A_343 : memref<1000000x32xf32, #tpu.memory_space<hbm>>) target(%dma_start3A_337 : memref<128x32xf32, #tpu.memory_space<vmem>>) offsets(%dma_start3A_340 : memref<128xi32, #tpu.memory_space<vmem>>) semaphore(%arg16 : memref<!tpu.dma_semaphore, #tpu.memory_space<semaphore_mem>>)
      %mul3A_344 = arith.constant 16 : i32
      %mul3A_345 = arith.muli %scan3A_174, %mul3A_344 : i32
      %add3A_346 = arith.constant 13 : i32
      %add3A_347 = arith.addi %mul3A_345, %add3A_346 : i32
      %dma_start3A_348 = arith.constant 1664 : i32
      %dma_start3A_349 = arith.constant 0 : i32
      %dma_start3A_350 = tpu.memref_slice %arg14[%dma_start3A_348, %dma_start3A_349] : memref<2048x32xf32, #tpu.memory_space<vmem>> -> memref<128x32xf32, #tpu.memory_space<vmem>>
      %dma_start3A_351 = arith.constant 0 : i32
      %dma_start3A_352 = tpu.memref_slice %arg12[%add3A_347, %dma_start3A_351] : memref<80x128xi32, #tpu.memory_space<vmem>> -> memref<1x128xi32, #tpu.memory_space<vmem>>
      %dma_start3A_353 = tpu.memref_squeeze %dma_start3A_352 : memref<1x128xi32, #tpu.memory_space<vmem>> -> memref<128xi32, #tpu.memory_space<vmem>>
      %dma_start3A_354 = arith.constant 0 : i32
      %dma_start3A_355 = arith.constant 0 : i32
      %dma_start3A_356 = tpu.memref_slice %arg3[%dma_start3A_354, %dma_start3A_355] : memref<1000000x32xf32, #tpu.memory_space<hbm>> -> memref<1000000x32xf32, #tpu.memory_space<hbm>>
      tpu.enqueue_indirect_dma source(%dma_start3A_356 : memref<1000000x32xf32, #tpu.memory_space<hbm>>) target(%dma_start3A_350 : memref<128x32xf32, #tpu.memory_space<vmem>>) offsets(%dma_start3A_353 : memref<128xi32, #tpu.memory_space<vmem>>) semaphore(%arg16 : memref<!tpu.dma_semaphore, #tpu.memory_space<semaphore_mem>>)
      %mul3A_357 = arith.constant 16 : i32
      %mul3A_358 = arith.muli %scan3A_174, %mul3A_357 : i32
      %add3A_359 = arith.constant 14 : i32
      %add3A_360 = arith.addi %mul3A_358, %add3A_359 : i32
      %dma_start3A_361 = arith.constant 1792 : i32
      %dma_start3A_362 = arith.constant 0 : i32
      %dma_start3A_363 = tpu.memref_slice %arg14[%dma_start3A_361, %dma_start3A_362] : memref<2048x32xf32, #tpu.memory_space<vmem>> -> memref<128x32xf32, #tpu.memory_space<vmem>>
      %dma_start3A_364 = arith.constant 0 : i32
      %dma_start3A_365 = tpu.memref_slice %arg12[%add3A_360, %dma_start3A_364] : memref<80x128xi32, #tpu.memory_space<vmem>> -> memref<1x128xi32, #tpu.memory_space<vmem>>
      %dma_start3A_366 = tpu.memref_squeeze %dma_start3A_365 : memref<1x128xi32, #tpu.memory_space<vmem>> -> memref<128xi32, #tpu.memory_space<vmem>>
      %dma_start3A_367 = arith.constant 0 : i32
      %dma_start3A_368 = arith.constant 0 : i32
      %dma_start3A_369 = tpu.memref_slice %arg3[%dma_start3A_367, %dma_start3A_368] : memref<1000000x32xf32, #tpu.memory_space<hbm>> -> memref<1000000x32xf32, #tpu.memory_space<hbm>>
      tpu.enqueue_indirect_dma source(%dma_start3A_369 : memref<1000000x32xf32, #tpu.memory_space<hbm>>) target(%dma_start3A_363 : memref<128x32xf32, #tpu.memory_space<vmem>>) offsets(%dma_start3A_366 : memref<128xi32, #tpu.memory_space<vmem>>) semaphore(%arg16 : memref<!tpu.dma_semaphore, #tpu.memory_space<semaphore_mem>>)
      %mul3A_370 = arith.constant 16 : i32
      %mul3A_371 = arith.muli %scan3A_174, %mul3A_370 : i32
      %add3A_372 = arith.constant 15 : i32
      %add3A_373 = arith.addi %mul3A_371, %add3A_372 : i32
      %dma_start3A_374 = arith.constant 1920 : i32
      %dma_start3A_375 = arith.constant 0 : i32
      %dma_start3A_376 = tpu.memref_slice %arg14[%dma_start3A_374, %dma_start3A_375] : memref<2048x32xf32, #tpu.memory_space<vmem>> -> memref<128x32xf32, #tpu.memory_space<vmem>>
      %dma_start3A_377 = arith.constant 0 : i32
      %dma_start3A_378 = tpu.memref_slice %arg12[%add3A_373, %dma_start3A_377] : memref<80x128xi32, #tpu.memory_space<vmem>> -> memref<1x128xi32, #tpu.memory_space<vmem>>
      %dma_start3A_379 = tpu.memref_squeeze %dma_start3A_378 : memref<1x128xi32, #tpu.memory_space<vmem>> -> memref<128xi32, #tpu.memory_space<vmem>>
      %dma_start3A_380 = arith.constant 0 : i32
      %dma_start3A_381 = arith.constant 0 : i32
      %dma_start3A_382 = tpu.memref_slice %arg3[%dma_start3A_380, %dma_start3A_381] : memref<1000000x32xf32, #tpu.memory_space<hbm>> -> memref<1000000x32xf32, #tpu.memory_space<hbm>>
      tpu.enqueue_indirect_dma source(%dma_start3A_382 : memref<1000000x32xf32, #tpu.memory_space<hbm>>) target(%dma_start3A_376 : memref<128x32xf32, #tpu.memory_space<vmem>>) offsets(%dma_start3A_379 : memref<128xi32, #tpu.memory_space<vmem>>) semaphore(%arg16 : memref<!tpu.dma_semaphore, #tpu.memory_space<semaphore_mem>>)
      %dma_wait3A_383 = arith.constant 0 : i32
      %dma_wait3A_384 = arith.constant 0 : i32
      %dma_wait3A_385 = tpu.memref_slice %arg14[%dma_wait3A_383, %dma_wait3A_384] : memref<2048x32xf32, #tpu.memory_space<vmem>> -> memref<128x32xf32, #tpu.memory_space<vmem>>
      %dma_wait3A_386 = arith.constant 0 : i32
      %dma_wait3A_387 = tpu.memref_slice %arg12[%add3A_178, %dma_wait3A_386] : memref<80x128xi32, #tpu.memory_space<vmem>> -> memref<1x128xi32, #tpu.memory_space<vmem>>
      %dma_wait3A_388 = tpu.memref_squeeze %dma_wait3A_387 : memref<1x128xi32, #tpu.memory_space<vmem>> -> memref<128xi32, #tpu.memory_space<vmem>>
      %dma_wait3A_389 = arith.constant 0 : i32
      %dma_wait3A_390 = arith.constant 0 : i32
      %dma_wait3A_391 = tpu.memref_slice %arg3[%dma_wait3A_389, %dma_wait3A_390] : memref<1000000x32xf32, #tpu.memory_space<hbm>> -> memref<1000000x32xf32, #tpu.memory_space<hbm>>
      tpu.wait_indirect_dma semaphore(%arg16 : memref<!tpu.dma_semaphore, #tpu.memory_space<semaphore_mem>>) src(%dma_wait3A_391 : memref<1000000x32xf32, #tpu.memory_space<hbm>>) dst(%dma_wait3A_385 : memref<128x32xf32, #tpu.memory_space<vmem>>)
      %dma_wait3A_392 = arith.constant 128 : i32
      %dma_wait3A_393 = arith.constant 0 : i32
      %dma_wait3A_394 = tpu.memref_slice %arg14[%dma_wait3A_392, %dma_wait3A_393] : memref<2048x32xf32, #tpu.memory_space<vmem>> -> memref<128x32xf32, #tpu.memory_space<vmem>>
      %dma_wait3A_395 = arith.constant 0 : i32
      %dma_wait3A_396 = tpu.memref_slice %arg12[%add3A_191, %dma_wait3A_395] : memref<80x128xi32, #tpu.memory_space<vmem>> -> memref<1x128xi32, #tpu.memory_space<vmem>>
      %dma_wait3A_397 = tpu.memref_squeeze %dma_wait3A_396 : memref<1x128xi32, #tpu.memory_space<vmem>> -> memref<128xi32, #tpu.memory_space<vmem>>
      %dma_wait3A_398 = arith.constant 0 : i32
      %dma_wait3A_399 = arith.constant 0 : i32
      %dma_wait3A_400 = tpu.memref_slice %arg3[%dma_wait3A_398, %dma_wait3A_399] : memref<1000000x32xf32, #tpu.memory_space<hbm>> -> memref<1000000x32xf32, #tpu.memory_space<hbm>>
      tpu.wait_indirect_dma semaphore(%arg16 : memref<!tpu.dma_semaphore, #tpu.memory_space<semaphore_mem>>) src(%dma_wait3A_400 : memref<1000000x32xf32, #tpu.memory_space<hbm>>) dst(%dma_wait3A_394 : memref<128x32xf32, #tpu.memory_space<vmem>>)
      %dma_wait3A_401 = arith.constant 256 : i32
      %dma_wait3A_402 = arith.constant 0 : i32
      %dma_wait3A_403 = tpu.memref_slice %arg14[%dma_wait3A_401, %dma_wait3A_402] : memref<2048x32xf32, #tpu.memory_space<vmem>> -> memref<128x32xf32, #tpu.memory_space<vmem>>
      %dma_wait3A_404 = arith.constant 0 : i32
      %dma_wait3A_405 = tpu.memref_slice %arg12[%add3A_204, %dma_wait3A_404] : memref<80x128xi32, #tpu.memory_space<vmem>> -> memref<1x128xi32, #tpu.memory_space<vmem>>
      %dma_wait3A_406 = tpu.memref_squeeze %dma_wait3A_405 : memref<1x128xi32, #tpu.memory_space<vmem>> -> memref<128xi32, #tpu.memory_space<vmem>>
      %dma_wait3A_407 = arith.constant 0 : i32
      %dma_wait3A_408 = arith.constant 0 : i32
      %dma_wait3A_409 = tpu.memref_slice %arg3[%dma_wait3A_407, %dma_wait3A_408] : memref<1000000x32xf32, #tpu.memory_space<hbm>> -> memref<1000000x32xf32, #tpu.memory_space<hbm>>
      tpu.wait_indirect_dma semaphore(%arg16 : memref<!tpu.dma_semaphore, #tpu.memory_space<semaphore_mem>>) src(%dma_wait3A_409 : memref<1000000x32xf32, #tpu.memory_space<hbm>>) dst(%dma_wait3A_403 : memref<128x32xf32, #tpu.memory_space<vmem>>)
      %dma_wait3A_410 = arith.constant 384 : i32
      %dma_wait3A_411 = arith.constant 0 : i32
      %dma_wait3A_412 = tpu.memref_slice %arg14[%dma_wait3A_410, %dma_wait3A_411] : memref<2048x32xf32, #tpu.memory_space<vmem>> -> memref<128x32xf32, #tpu.memory_space<vmem>>
      %dma_wait3A_413 = arith.constant 0 : i32
      %dma_wait3A_414 = tpu.memref_slice %arg12[%add3A_217, %dma_wait3A_413] : memref<80x128xi32, #tpu.memory_space<vmem>> -> memref<1x128xi32, #tpu.memory_space<vmem>>
      %dma_wait3A_415 = tpu.memref_squeeze %dma_wait3A_414 : memref<1x128xi32, #tpu.memory_space<vmem>> -> memref<128xi32, #tpu.memory_space<vmem>>
      %dma_wait3A_416 = arith.constant 0 : i32
      %dma_wait3A_417 = arith.constant 0 : i32
      %dma_wait3A_418 = tpu.memref_slice %arg3[%dma_wait3A_416, %dma_wait3A_417] : memref<1000000x32xf32, #tpu.memory_space<hbm>> -> memref<1000000x32xf32, #tpu.memory_space<hbm>>
      tpu.wait_indirect_dma semaphore(%arg16 : memref<!tpu.dma_semaphore, #tpu.memory_space<semaphore_mem>>) src(%dma_wait3A_418 : memref<1000000x32xf32, #tpu.memory_space<hbm>>) dst(%dma_wait3A_412 : memref<128x32xf32, #tpu.memory_space<vmem>>)
      %dma_wait3A_419 = arith.constant 512 : i32
      %dma_wait3A_420 = arith.constant 0 : i32
      %dma_wait3A_421 = tpu.memref_slice %arg14[%dma_wait3A_419, %dma_wait3A_420] : memref<2048x32xf32, #tpu.memory_space<vmem>> -> memref<128x32xf32, #tpu.memory_space<vmem>>
      %dma_wait3A_422 = arith.constant 0 : i32
      %dma_wait3A_423 = tpu.memref_slice %arg12[%add3A_230, %dma_wait3A_422] : memref<80x128xi32, #tpu.memory_space<vmem>> -> memref<1x128xi32, #tpu.memory_space<vmem>>
      %dma_wait3A_424 = tpu.memref_squeeze %dma_wait3A_423 : memref<1x128xi32, #tpu.memory_space<vmem>> -> memref<128xi32, #tpu.memory_space<vmem>>
      %dma_wait3A_425 = arith.constant 0 : i32
      %dma_wait3A_426 = arith.constant 0 : i32
      %dma_wait3A_427 = tpu.memref_slice %arg3[%dma_wait3A_425, %dma_wait3A_426] : memref<1000000x32xf32, #tpu.memory_space<hbm>> -> memref<1000000x32xf32, #tpu.memory_space<hbm>>
      tpu.wait_indirect_dma semaphore(%arg16 : memref<!tpu.dma_semaphore, #tpu.memory_space<semaphore_mem>>) src(%dma_wait3A_427 : memref<1000000x32xf32, #tpu.memory_space<hbm>>) dst(%dma_wait3A_421 : memref<128x32xf32, #tpu.memory_space<vmem>>)
      %dma_wait3A_428 = arith.constant 640 : i32
      %dma_wait3A_429 = arith.constant 0 : i32
      %dma_wait3A_430 = tpu.memref_slice %arg14[%dma_wait3A_428, %dma_wait3A_429] : memref<2048x32xf32, #tpu.memory_space<vmem>> -> memref<128x32xf32, #tpu.memory_space<vmem>>
      %dma_wait3A_431 = arith.constant 0 : i32
      %dma_wait3A_432 = tpu.memref_slice %arg12[%add3A_243, %dma_wait3A_431] : memref<80x128xi32, #tpu.memory_space<vmem>> -> memref<1x128xi32, #tpu.memory_space<vmem>>
      %dma_wait3A_433 = tpu.memref_squeeze %dma_wait3A_432 : memref<1x128xi32, #tpu.memory_space<vmem>> -> memref<128xi32, #tpu.memory_space<vmem>>
      %dma_wait3A_434 = arith.constant 0 : i32
      %dma_wait3A_435 = arith.constant 0 : i32
      %dma_wait3A_436 = tpu.memref_slice %arg3[%dma_wait3A_434, %dma_wait3A_435] : memref<1000000x32xf32, #tpu.memory_space<hbm>> -> memref<1000000x32xf32, #tpu.memory_space<hbm>>
      tpu.wait_indirect_dma semaphore(%arg16 : memref<!tpu.dma_semaphore, #tpu.memory_space<semaphore_mem>>) src(%dma_wait3A_436 : memref<1000000x32xf32, #tpu.memory_space<hbm>>) dst(%dma_wait3A_430 : memref<128x32xf32, #tpu.memory_space<vmem>>)
      %dma_wait3A_437 = arith.constant 768 : i32
      %dma_wait3A_438 = arith.constant 0 : i32
      %dma_wait3A_439 = tpu.memref_slice %arg14[%dma_wait3A_437, %dma_wait3A_438] : memref<2048x32xf32, #tpu.memory_space<vmem>> -> memref<128x32xf32, #tpu.memory_space<vmem>>
      %dma_wait3A_440 = arith.constant 0 : i32
      %dma_wait3A_441 = tpu.memref_slice %arg12[%add3A_256, %dma_wait3A_440] : memref<80x128xi32, #tpu.memory_space<vmem>> -> memref<1x128xi32, #tpu.memory_space<vmem>>
      %dma_wait3A_442 = tpu.memref_squeeze %dma_wait3A_441 : memref<1x128xi32, #tpu.memory_space<vmem>> -> memref<128xi32, #tpu.memory_space<vmem>>
      %dma_wait3A_443 = arith.constant 0 : i32
      %dma_wait3A_444 = arith.constant 0 : i32
      %dma_wait3A_445 = tpu.memref_slice %arg3[%dma_wait3A_443, %dma_wait3A_444] : memref<1000000x32xf32, #tpu.memory_space<hbm>> -> memref<1000000x32xf32, #tpu.memory_space<hbm>>
      tpu.wait_indirect_dma semaphore(%arg16 : memref<!tpu.dma_semaphore, #tpu.memory_space<semaphore_mem>>) src(%dma_wait3A_445 : memref<1000000x32xf32, #tpu.memory_space<hbm>>) dst(%dma_wait3A_439 : memref<128x32xf32, #tpu.memory_space<vmem>>)
      %dma_wait3A_446 = arith.constant 896 : i32
      %dma_wait3A_447 = arith.constant 0 : i32
      %dma_wait3A_448 = tpu.memref_slice %arg14[%dma_wait3A_446, %dma_wait3A_447] : memref<2048x32xf32, #tpu.memory_space<vmem>> -> memref<128x32xf32, #tpu.memory_space<vmem>>
      %dma_wait3A_449 = arith.constant 0 : i32
      %dma_wait3A_450 = tpu.memref_slice %arg12[%add3A_269, %dma_wait3A_449] : memref<80x128xi32, #tpu.memory_space<vmem>> -> memref<1x128xi32, #tpu.memory_space<vmem>>
      %dma_wait3A_451 = tpu.memref_squeeze %dma_wait3A_450 : memref<1x128xi32, #tpu.memory_space<vmem>> -> memref<128xi32, #tpu.memory_space<vmem>>
      %dma_wait3A_452 = arith.constant 0 : i32
      %dma_wait3A_453 = arith.constant 0 : i32
      %dma_wait3A_454 = tpu.memref_slice %arg3[%dma_wait3A_452, %dma_wait3A_453] : memref<1000000x32xf32, #tpu.memory_space<hbm>> -> memref<1000000x32xf32, #tpu.memory_space<hbm>>
      tpu.wait_indirect_dma semaphore(%arg16 : memref<!tpu.dma_semaphore, #tpu.memory_space<semaphore_mem>>) src(%dma_wait3A_454 : memref<1000000x32xf32, #tpu.memory_space<hbm>>) dst(%dma_wait3A_448 : memref<128x32xf32, #tpu.memory_space<vmem>>)
      %dma_wait3A_455 = arith.constant 1024 : i32
      %dma_wait3A_456 = arith.constant 0 : i32
      %dma_wait3A_457 = tpu.memref_slice %arg14[%dma_wait3A_455, %dma_wait3A_456] : memref<2048x32xf32, #tpu.memory_space<vmem>> -> memref<128x32xf32, #tpu.memory_space<vmem>>
      %dma_wait3A_458 = arith.constant 0 : i32
      %dma_wait3A_459 = tpu.memref_slice %arg12[%add3A_282, %dma_wait3A_458] : memref<80x128xi32, #tpu.memory_space<vmem>> -> memref<1x128xi32, #tpu.memory_space<vmem>>
      %dma_wait3A_460 = tpu.memref_squeeze %dma_wait3A_459 : memref<1x128xi32, #tpu.memory_space<vmem>> -> memref<128xi32, #tpu.memory_space<vmem>>
      %dma_wait3A_461 = arith.constant 0 : i32
      %dma_wait3A_462 = arith.constant 0 : i32
      %dma_wait3A_463 = tpu.memref_slice %arg3[%dma_wait3A_461, %dma_wait3A_462] : memref<1000000x32xf32, #tpu.memory_space<hbm>> -> memref<1000000x32xf32, #tpu.memory_space<hbm>>
      tpu.wait_indirect_dma semaphore(%arg16 : memref<!tpu.dma_semaphore, #tpu.memory_space<semaphore_mem>>) src(%dma_wait3A_463 : memref<1000000x32xf32, #tpu.memory_space<hbm>>) dst(%dma_wait3A_457 : memref<128x32xf32, #tpu.memory_space<vmem>>)
      %dma_wait3A_464 = arith.constant 1152 : i32
      %dma_wait3A_465 = arith.constant 0 : i32
      %dma_wait3A_466 = tpu.memref_slice %arg14[%dma_wait3A_464, %dma_wait3A_465] : memref<2048x32xf32, #tpu.memory_space<vmem>> -> memref<128x32xf32, #tpu.memory_space<vmem>>
      %dma_wait3A_467 = arith.constant 0 : i32
      %dma_wait3A_468 = tpu.memref_slice %arg12[%add3A_295, %dma_wait3A_467] : memref<80x128xi32, #tpu.memory_space<vmem>> -> memref<1x128xi32, #tpu.memory_space<vmem>>
      %dma_wait3A_469 = tpu.memref_squeeze %dma_wait3A_468 : memref<1x128xi32, #tpu.memory_space<vmem>> -> memref<128xi32, #tpu.memory_space<vmem>>
      %dma_wait3A_470 = arith.constant 0 : i32
      %dma_wait3A_471 = arith.constant 0 : i32
      %dma_wait3A_472 = tpu.memref_slice %arg3[%dma_wait3A_470, %dma_wait3A_471] : memref<1000000x32xf32, #tpu.memory_space<hbm>> -> memref<1000000x32xf32, #tpu.memory_space<hbm>>
      tpu.wait_indirect_dma semaphore(%arg16 : memref<!tpu.dma_semaphore, #tpu.memory_space<semaphore_mem>>) src(%dma_wait3A_472 : memref<1000000x32xf32, #tpu.memory_space<hbm>>) dst(%dma_wait3A_466 : memref<128x32xf32, #tpu.memory_space<vmem>>)
      %dma_wait3A_473 = arith.constant 1280 : i32
      %dma_wait3A_474 = arith.constant 0 : i32
      %dma_wait3A_475 = tpu.memref_slice %arg14[%dma_wait3A_473, %dma_wait3A_474] : memref<2048x32xf32, #tpu.memory_space<vmem>> -> memref<128x32xf32, #tpu.memory_space<vmem>>
      %dma_wait3A_476 = arith.constant 0 : i32
      %dma_wait3A_477 = tpu.memref_slice %arg12[%add3A_308, %dma_wait3A_476] : memref<80x128xi32, #tpu.memory_space<vmem>> -> memref<1x128xi32, #tpu.memory_space<vmem>>
      %dma_wait3A_478 = tpu.memref_squeeze %dma_wait3A_477 : memref<1x128xi32, #tpu.memory_space<vmem>> -> memref<128xi32, #tpu.memory_space<vmem>>
      %dma_wait3A_479 = arith.constant 0 : i32
      %dma_wait3A_480 = arith.constant 0 : i32
      %dma_wait3A_481 = tpu.memref_slice %arg3[%dma_wait3A_479, %dma_wait3A_480] : memref<1000000x32xf32, #tpu.memory_space<hbm>> -> memref<1000000x32xf32, #tpu.memory_space<hbm>>
      tpu.wait_indirect_dma semaphore(%arg16 : memref<!tpu.dma_semaphore, #tpu.memory_space<semaphore_mem>>) src(%dma_wait3A_481 : memref<1000000x32xf32, #tpu.memory_space<hbm>>) dst(%dma_wait3A_475 : memref<128x32xf32, #tpu.memory_space<vmem>>)
      %dma_wait3A_482 = arith.constant 1408 : i32
      %dma_wait3A_483 = arith.constant 0 : i32
      %dma_wait3A_484 = tpu.memref_slice %arg14[%dma_wait3A_482, %dma_wait3A_483] : memref<2048x32xf32, #tpu.memory_space<vmem>> -> memref<128x32xf32, #tpu.memory_space<vmem>>
      %dma_wait3A_485 = arith.constant 0 : i32
      %dma_wait3A_486 = tpu.memref_slice %arg12[%add3A_321, %dma_wait3A_485] : memref<80x128xi32, #tpu.memory_space<vmem>> -> memref<1x128xi32, #tpu.memory_space<vmem>>
      %dma_wait3A_487 = tpu.memref_squeeze %dma_wait3A_486 : memref<1x128xi32, #tpu.memory_space<vmem>> -> memref<128xi32, #tpu.memory_space<vmem>>
      %dma_wait3A_488 = arith.constant 0 : i32
      %dma_wait3A_489 = arith.constant 0 : i32
      %dma_wait3A_490 = tpu.memref_slice %arg3[%dma_wait3A_488, %dma_wait3A_489] : memref<1000000x32xf32, #tpu.memory_space<hbm>> -> memref<1000000x32xf32, #tpu.memory_space<hbm>>
      tpu.wait_indirect_dma semaphore(%arg16 : memref<!tpu.dma_semaphore, #tpu.memory_space<semaphore_mem>>) src(%dma_wait3A_490 : memref<1000000x32xf32, #tpu.memory_space<hbm>>) dst(%dma_wait3A_484 : memref<128x32xf32, #tpu.memory_space<vmem>>)
      %dma_wait3A_491 = arith.constant 1536 : i32
      %dma_wait3A_492 = arith.constant 0 : i32
      %dma_wait3A_493 = tpu.memref_slice %arg14[%dma_wait3A_491, %dma_wait3A_492] : memref<2048x32xf32, #tpu.memory_space<vmem>> -> memref<128x32xf32, #tpu.memory_space<vmem>>
      %dma_wait3A_494 = arith.constant 0 : i32
      %dma_wait3A_495 = tpu.memref_slice %arg12[%add3A_334, %dma_wait3A_494] : memref<80x128xi32, #tpu.memory_space<vmem>> -> memref<1x128xi32, #tpu.memory_space<vmem>>
      %dma_wait3A_496 = tpu.memref_squeeze %dma_wait3A_495 : memref<1x128xi32, #tpu.memory_space<vmem>> -> memref<128xi32, #tpu.memory_space<vmem>>
      %dma_wait3A_497 = arith.constant 0 : i32
      %dma_wait3A_498 = arith.constant 0 : i32
      %dma_wait3A_499 = tpu.memref_slice %arg3[%dma_wait3A_497, %dma_wait3A_498] : memref<1000000x32xf32, #tpu.memory_space<hbm>> -> memref<1000000x32xf32, #tpu.memory_space<hbm>>
      tpu.wait_indirect_dma semaphore(%arg16 : memref<!tpu.dma_semaphore, #tpu.memory_space<semaphore_mem>>) src(%dma_wait3A_499 : memref<1000000x32xf32, #tpu.memory_space<hbm>>) dst(%dma_wait3A_493 : memref<128x32xf32, #tpu.memory_space<vmem>>)
      %dma_wait3A_500 = arith.constant 1664 : i32
      %dma_wait3A_501 = arith.constant 0 : i32
      %dma_wait3A_502 = tpu.memref_slice %arg14[%dma_wait3A_500, %dma_wait3A_501] : memref<2048x32xf32, #tpu.memory_space<vmem>> -> memref<128x32xf32, #tpu.memory_space<vmem>>
      %dma_wait3A_503 = arith.constant 0 : i32
      %dma_wait3A_504 = tpu.memref_slice %arg12[%add3A_347, %dma_wait3A_503] : memref<80x128xi32, #tpu.memory_space<vmem>> -> memref<1x128xi32, #tpu.memory_space<vmem>>
      %dma_wait3A_505 = tpu.memref_squeeze %dma_wait3A_504 : memref<1x128xi32, #tpu.memory_space<vmem>> -> memref<128xi32, #tpu.memory_space<vmem>>
      %dma_wait3A_506 = arith.constant 0 : i32
      %dma_wait3A_507 = arith.constant 0 : i32
      %dma_wait3A_508 = tpu.memref_slice %arg3[%dma_wait3A_506, %dma_wait3A_507] : memref<1000000x32xf32, #tpu.memory_space<hbm>> -> memref<1000000x32xf32, #tpu.memory_space<hbm>>
      tpu.wait_indirect_dma semaphore(%arg16 : memref<!tpu.dma_semaphore, #tpu.memory_space<semaphore_mem>>) src(%dma_wait3A_508 : memref<1000000x32xf32, #tpu.memory_space<hbm>>) dst(%dma_wait3A_502 : memref<128x32xf32, #tpu.memory_space<vmem>>)
      %dma_wait3A_509 = arith.constant 1792 : i32
      %dma_wait3A_510 = arith.constant 0 : i32
      %dma_wait3A_511 = tpu.memref_slice %arg14[%dma_wait3A_509, %dma_wait3A_510] : memref<2048x32xf32, #tpu.memory_space<vmem>> -> memref<128x32xf32, #tpu.memory_space<vmem>>
      %dma_wait3A_512 = arith.constant 0 : i32
      %dma_wait3A_513 = tpu.memref_slice %arg12[%add3A_360, %dma_wait3A_512] : memref<80x128xi32, #tpu.memory_space<vmem>> -> memref<1x128xi32, #tpu.memory_space<vmem>>
      %dma_wait3A_514 = tpu.memref_squeeze %dma_wait3A_513 : memref<1x128xi32, #tpu.memory_space<vmem>> -> memref<128xi32, #tpu.memory_space<vmem>>
      %dma_wait3A_515 = arith.constant 0 : i32
      %dma_wait3A_516 = arith.constant 0 : i32
      %dma_wait3A_517 = tpu.memref_slice %arg3[%dma_wait3A_515, %dma_wait3A_516] : memref<1000000x32xf32, #tpu.memory_space<hbm>> -> memref<1000000x32xf32, #tpu.memory_space<hbm>>
      tpu.wait_indirect_dma semaphore(%arg16 : memref<!tpu.dma_semaphore, #tpu.memory_space<semaphore_mem>>) src(%dma_wait3A_517 : memref<1000000x32xf32, #tpu.memory_space<hbm>>) dst(%dma_wait3A_511 : memref<128x32xf32, #tpu.memory_space<vmem>>)
      %dma_wait3A_518 = arith.constant 1920 : i32
      %dma_wait3A_519 = arith.constant 0 : i32
      %dma_wait3A_520 = tpu.memref_slice %arg14[%dma_wait3A_518, %dma_wait3A_519] : memref<2048x32xf32, #tpu.memory_space<vmem>> -> memref<128x32xf32, #tpu.memory_space<vmem>>
      %dma_wait3A_521 = arith.constant 0 : i32
      %dma_wait3A_522 = tpu.memref_slice %arg12[%add3A_373, %dma_wait3A_521] : memref<80x128xi32, #tpu.memory_space<vmem>> -> memref<1x128xi32, #tpu.memory_space<vmem>>
      %dma_wait3A_523 = tpu.memref_squeeze %dma_wait3A_522 : memref<1x128xi32, #tpu.memory_space<vmem>> -> memref<128xi32, #tpu.memory_space<vmem>>
      %dma_wait3A_524 = arith.constant 0 : i32
      %dma_wait3A_525 = arith.constant 0 : i32
      %dma_wait3A_526 = tpu.memref_slice %arg3[%dma_wait3A_524, %dma_wait3A_525] : memref<1000000x32xf32, #tpu.memory_space<hbm>> -> memref<1000000x32xf32, #tpu.memory_space<hbm>>
      tpu.wait_indirect_dma semaphore(%arg16 : memref<!tpu.dma_semaphore, #tpu.memory_space<semaphore_mem>>) src(%dma_wait3A_526 : memref<1000000x32xf32, #tpu.memory_space<hbm>>) dst(%dma_wait3A_520 : memref<128x32xf32, #tpu.memory_space<vmem>>)
      %mul3A_527 = arith.constant 2048 : i32
      %mul3A_528 = arith.muli %scan3A_174, %mul3A_527 : i32
      %add3A_529 = arith.addi %mul3A_2, %mul3A_528 : i32
      "tpu.region"() ({
        %run_scoped3A = tpu.sem_alloc : memref<!tpu.dma_semaphore, #tpu.memory_space<semaphore_mem>>
        %dma_start3A_530 = arith.constant 0 : i32
        %dma_start3A_531 = tpu.memref_slice %arg9[%add3A_529, %dma_start3A_530] : memref<327680x32xf32, #tpu.memory_space<hbm>> -> memref<2048x32xf32, #tpu.memory_space<hbm>>
        %dma_start3A_532 = arith.constant 0 : i32
        %dma_start3A_533 = tpu.memref_slice %arg9[%add3A_529, %dma_start3A_532] : memref<327680x32xf32, #tpu.memory_space<hbm>> -> memref<2048x32xf32, #tpu.memory_space<hbm>>
        tpu.enqueue_dma source(%arg14 : memref<2048x32xf32, #tpu.memory_space<vmem>>) target(%dma_start3A_533 : memref<2048x32xf32, #tpu.memory_space<hbm>>) target_semaphore(%run_scoped3A : memref<!tpu.dma_semaphore, #tpu.memory_space<semaphore_mem>>)
        %dma_wait3A_534 = arith.constant 0 : i32
        %dma_wait3A_535 = tpu.memref_slice %arg9[%add3A_529, %dma_wait3A_534] : memref<327680x32xf32, #tpu.memory_space<hbm>> -> memref<2048x32xf32, #tpu.memory_space<hbm>>
        %dma_wait3A_536 = arith.constant 0 : i32
        %dma_wait3A_537 = tpu.memref_slice %arg9[%add3A_529, %dma_wait3A_536] : memref<327680x32xf32, #tpu.memory_space<hbm>> -> memref<2048x32xf32, #tpu.memory_space<hbm>>
        tpu.wait_dma2 semaphore(%run_scoped3A : memref<!tpu.dma_semaphore, #tpu.memory_space<semaphore_mem>>) src(%arg14 : memref<2048x32xf32, #tpu.memory_space<vmem>>) dst(%dma_wait3A_537 : memref<2048x32xf32, #tpu.memory_space<hbm>>)
        tpu.yield
      }) : () -> ()
    }
    %scan3A_15 = arith.constant 5 : i32
    %dma_start3A = arith.constant 0 : i32
    %dma_start3A_16 = arith.constant 0 : i32
    %dma_start3A_17 = arith.constant 0 : i32
    %dma_start3A_18 = tpu.memref_slice %arg15[%dma_start3A_16, %dma_start3A_17] : memref<512x32xf32, #tpu.memory_space<vmem>> -> memref<128x32xf32, #tpu.memory_space<vmem>>
    %dma_start3A_19 = arith.constant 0 : i32
    %dma_start3A_20 = tpu.memref_slice %arg13[%dma_start3A, %dma_start3A_19] : memref<4x128xi32, #tpu.memory_space<vmem>> -> memref<1x128xi32, #tpu.memory_space<vmem>>
    %dma_start3A_21 = tpu.memref_squeeze %dma_start3A_20 : memref<1x128xi32, #tpu.memory_space<vmem>> -> memref<128xi32, #tpu.memory_space<vmem>>
    %dma_start3A_22 = arith.constant 0 : i32
    %dma_start3A_23 = arith.constant 0 : i32
    %dma_start3A_24 = tpu.memref_slice %arg4[%dma_start3A_22, %dma_start3A_23] : memref<1000000x32xf32, #tpu.memory_space<hbm>> -> memref<1000000x32xf32, #tpu.memory_space<hbm>>
    tpu.enqueue_indirect_dma source(%dma_start3A_24 : memref<1000000x32xf32, #tpu.memory_space<hbm>>) target(%dma_start3A_18 : memref<128x32xf32, #tpu.memory_space<vmem>>) offsets(%dma_start3A_21 : memref<128xi32, #tpu.memory_space<vmem>>) semaphore(%arg16 : memref<!tpu.dma_semaphore, #tpu.memory_space<semaphore_mem>>)
    %dma_start3A_25 = arith.constant 1 : i32
    %dma_start3A_26 = arith.constant 128 : i32
    %dma_start3A_27 = arith.constant 0 : i32
    %dma_start3A_28 = tpu.memref_slice %arg15[%dma_start3A_26, %dma_start3A_27] : memref<512x32xf32, #tpu.memory_space<vmem>> -> memref<128x32xf32, #tpu.memory_space<vmem>>
    %dma_start3A_29 = arith.constant 0 : i32
    %dma_start3A_30 = tpu.memref_slice %arg13[%dma_start3A_25, %dma_start3A_29] : memref<4x128xi32, #tpu.memory_space<vmem>> -> memref<1x128xi32, #tpu.memory_space<vmem>>
    %dma_start3A_31 = tpu.memref_squeeze %dma_start3A_30 : memref<1x128xi32, #tpu.memory_space<vmem>> -> memref<128xi32, #tpu.memory_space<vmem>>
    %dma_start3A_32 = arith.constant 0 : i32
    %dma_start3A_33 = arith.constant 0 : i32
    %dma_start3A_34 = tpu.memref_slice %arg4[%dma_start3A_32, %dma_start3A_33] : memref<1000000x32xf32, #tpu.memory_space<hbm>> -> memref<1000000x32xf32, #tpu.memory_space<hbm>>
    tpu.enqueue_indirect_dma source(%dma_start3A_34 : memref<1000000x32xf32, #tpu.memory_space<hbm>>) target(%dma_start3A_28 : memref<128x32xf32, #tpu.memory_space<vmem>>) offsets(%dma_start3A_31 : memref<128xi32, #tpu.memory_space<vmem>>) semaphore(%arg16 : memref<!tpu.dma_semaphore, #tpu.memory_space<semaphore_mem>>)
    %dma_start3A_35 = arith.constant 2 : i32
    %dma_start3A_36 = arith.constant 256 : i32
    %dma_start3A_37 = arith.constant 0 : i32
    %dma_start3A_38 = tpu.memref_slice %arg15[%dma_start3A_36, %dma_start3A_37] : memref<512x32xf32, #tpu.memory_space<vmem>> -> memref<128x32xf32, #tpu.memory_space<vmem>>
    %dma_start3A_39 = arith.constant 0 : i32
    %dma_start3A_40 = tpu.memref_slice %arg13[%dma_start3A_35, %dma_start3A_39] : memref<4x128xi32, #tpu.memory_space<vmem>> -> memref<1x128xi32, #tpu.memory_space<vmem>>
    %dma_start3A_41 = tpu.memref_squeeze %dma_start3A_40 : memref<1x128xi32, #tpu.memory_space<vmem>> -> memref<128xi32, #tpu.memory_space<vmem>>
    %dma_start3A_42 = arith.constant 0 : i32
    %dma_start3A_43 = arith.constant 0 : i32
    %dma_start3A_44 = tpu.memref_slice %arg4[%dma_start3A_42, %dma_start3A_43] : memref<1000000x32xf32, #tpu.memory_space<hbm>> -> memref<1000000x32xf32, #tpu.memory_space<hbm>>
    tpu.enqueue_indirect_dma source(%dma_start3A_44 : memref<1000000x32xf32, #tpu.memory_space<hbm>>) target(%dma_start3A_38 : memref<128x32xf32, #tpu.memory_space<vmem>>) offsets(%dma_start3A_41 : memref<128xi32, #tpu.memory_space<vmem>>) semaphore(%arg16 : memref<!tpu.dma_semaphore, #tpu.memory_space<semaphore_mem>>)
    %dma_start3A_45 = arith.constant 3 : i32
    %dma_start3A_46 = arith.constant 384 : i32
    %dma_start3A_47 = arith.constant 0 : i32
    %dma_start3A_48 = tpu.memref_slice %arg15[%dma_start3A_46, %dma_start3A_47] : memref<512x32xf32, #tpu.memory_space<vmem>> -> memref<128x32xf32, #tpu.memory_space<vmem>>
    %dma_start3A_49 = arith.constant 0 : i32
    %dma_start3A_50 = tpu.memref_slice %arg13[%dma_start3A_45, %dma_start3A_49] : memref<4x128xi32, #tpu.memory_space<vmem>> -> memref<1x128xi32, #tpu.memory_space<vmem>>
    %dma_start3A_51 = tpu.memref_squeeze %dma_start3A_50 : memref<1x128xi32, #tpu.memory_space<vmem>> -> memref<128xi32, #tpu.memory_space<vmem>>
    %dma_start3A_52 = arith.constant 0 : i32
    %dma_start3A_53 = arith.constant 0 : i32
    %dma_start3A_54 = tpu.memref_slice %arg4[%dma_start3A_52, %dma_start3A_53] : memref<1000000x32xf32, #tpu.memory_space<hbm>> -> memref<1000000x32xf32, #tpu.memory_space<hbm>>
    tpu.enqueue_indirect_dma source(%dma_start3A_54 : memref<1000000x32xf32, #tpu.memory_space<hbm>>) target(%dma_start3A_48 : memref<128x32xf32, #tpu.memory_space<vmem>>) offsets(%dma_start3A_51 : memref<128xi32, #tpu.memory_space<vmem>>) semaphore(%arg16 : memref<!tpu.dma_semaphore, #tpu.memory_space<semaphore_mem>>)
    %dma_wait3A = arith.constant 0 : i32
    %dma_wait3A_55 = arith.constant 0 : i32
    %dma_wait3A_56 = arith.constant 0 : i32
    %dma_wait3A_57 = tpu.memref_slice %arg15[%dma_wait3A_55, %dma_wait3A_56] : memref<512x32xf32, #tpu.memory_space<vmem>> -> memref<128x32xf32, #tpu.memory_space<vmem>>
    %dma_wait3A_58 = arith.constant 0 : i32
    %dma_wait3A_59 = tpu.memref_slice %arg13[%dma_wait3A, %dma_wait3A_58] : memref<4x128xi32, #tpu.memory_space<vmem>> -> memref<1x128xi32, #tpu.memory_space<vmem>>
    %dma_wait3A_60 = tpu.memref_squeeze %dma_wait3A_59 : memref<1x128xi32, #tpu.memory_space<vmem>> -> memref<128xi32, #tpu.memory_space<vmem>>
    %dma_wait3A_61 = arith.constant 0 : i32
    %dma_wait3A_62 = arith.constant 0 : i32
    %dma_wait3A_63 = tpu.memref_slice %arg4[%dma_wait3A_61, %dma_wait3A_62] : memref<1000000x32xf32, #tpu.memory_space<hbm>> -> memref<1000000x32xf32, #tpu.memory_space<hbm>>
    tpu.wait_indirect_dma semaphore(%arg16 : memref<!tpu.dma_semaphore, #tpu.memory_space<semaphore_mem>>) src(%dma_wait3A_63 : memref<1000000x32xf32, #tpu.memory_space<hbm>>) dst(%dma_wait3A_57 : memref<128x32xf32, #tpu.memory_space<vmem>>)
    %dma_wait3A_64 = arith.constant 1 : i32
    %dma_wait3A_65 = arith.constant 128 : i32
    %dma_wait3A_66 = arith.constant 0 : i32
    %dma_wait3A_67 = tpu.memref_slice %arg15[%dma_wait3A_65, %dma_wait3A_66] : memref<512x32xf32, #tpu.memory_space<vmem>> -> memref<128x32xf32, #tpu.memory_space<vmem>>
    %dma_wait3A_68 = arith.constant 0 : i32
    %dma_wait3A_69 = tpu.memref_slice %arg13[%dma_wait3A_64, %dma_wait3A_68] : memref<4x128xi32, #tpu.memory_space<vmem>> -> memref<1x128xi32, #tpu.memory_space<vmem>>
    %dma_wait3A_70 = tpu.memref_squeeze %dma_wait3A_69 : memref<1x128xi32, #tpu.memory_space<vmem>> -> memref<128xi32, #tpu.memory_space<vmem>>
    %dma_wait3A_71 = arith.constant 0 : i32
    %dma_wait3A_72 = arith.constant 0 : i32
    %dma_wait3A_73 = tpu.memref_slice %arg4[%dma_wait3A_71, %dma_wait3A_72] : memref<1000000x32xf32, #tpu.memory_space<hbm>> -> memref<1000000x32xf32, #tpu.memory_space<hbm>>
    tpu.wait_indirect_dma semaphore(%arg16 : memref<!tpu.dma_semaphore, #tpu.memory_space<semaphore_mem>>) src(%dma_wait3A_73 : memref<1000000x32xf32, #tpu.memory_space<hbm>>) dst(%dma_wait3A_67 : memref<128x32xf32, #tpu.memory_space<vmem>>)
    %dma_wait3A_74 = arith.constant 2 : i32
    %dma_wait3A_75 = arith.constant 256 : i32
    %dma_wait3A_76 = arith.constant 0 : i32
    %dma_wait3A_77 = tpu.memref_slice %arg15[%dma_wait3A_75, %dma_wait3A_76] : memref<512x32xf32, #tpu.memory_space<vmem>> -> memref<128x32xf32, #tpu.memory_space<vmem>>
    %dma_wait3A_78 = arith.constant 0 : i32
    %dma_wait3A_79 = tpu.memref_slice %arg13[%dma_wait3A_74, %dma_wait3A_78] : memref<4x128xi32, #tpu.memory_space<vmem>> -> memref<1x128xi32, #tpu.memory_space<vmem>>
    %dma_wait3A_80 = tpu.memref_squeeze %dma_wait3A_79 : memref<1x128xi32, #tpu.memory_space<vmem>> -> memref<128xi32, #tpu.memory_space<vmem>>
    %dma_wait3A_81 = arith.constant 0 : i32
    %dma_wait3A_82 = arith.constant 0 : i32
    %dma_wait3A_83 = tpu.memref_slice %arg4[%dma_wait3A_81, %dma_wait3A_82] : memref<1000000x32xf32, #tpu.memory_space<hbm>> -> memref<1000000x32xf32, #tpu.memory_space<hbm>>
    tpu.wait_indirect_dma semaphore(%arg16 : memref<!tpu.dma_semaphore, #tpu.memory_space<semaphore_mem>>) src(%dma_wait3A_83 : memref<1000000x32xf32, #tpu.memory_space<hbm>>) dst(%dma_wait3A_77 : memref<128x32xf32, #tpu.memory_space<vmem>>)
    %dma_wait3A_84 = arith.constant 3 : i32
    %dma_wait3A_85 = arith.constant 384 : i32
    %dma_wait3A_86 = arith.constant 0 : i32
    %dma_wait3A_87 = tpu.memref_slice %arg15[%dma_wait3A_85, %dma_wait3A_86] : memref<512x32xf32, #tpu.memory_space<vmem>> -> memref<128x32xf32, #tpu.memory_space<vmem>>
    %dma_wait3A_88 = arith.constant 0 : i32
    %dma_wait3A_89 = tpu.memref_slice %arg13[%dma_wait3A_84, %dma_wait3A_88] : memref<4x128xi32, #tpu.memory_space<vmem>> -> memref<1x128xi32, #tpu.memory_space<vmem>>
    %dma_wait3A_90 = tpu.memref_squeeze %dma_wait3A_89 : memref<1x128xi32, #tpu.memory_space<vmem>> -> memref<128xi32, #tpu.memory_space<vmem>>
    %dma_wait3A_91 = arith.constant 0 : i32
    %dma_wait3A_92 = arith.constant 0 : i32
    %dma_wait3A_93 = tpu.memref_slice %arg4[%dma_wait3A_91, %dma_wait3A_92] : memref<1000000x32xf32, #tpu.memory_space<hbm>> -> memref<1000000x32xf32, #tpu.memory_space<hbm>>
    tpu.wait_indirect_dma semaphore(%arg16 : memref<!tpu.dma_semaphore, #tpu.memory_space<semaphore_mem>>) src(%dma_wait3A_93 : memref<1000000x32xf32, #tpu.memory_space<hbm>>) dst(%dma_wait3A_87 : memref<128x32xf32, #tpu.memory_space<vmem>>)
    "tpu.region"() ({
      %run_scoped3A = tpu.sem_alloc : memref<!tpu.dma_semaphore, #tpu.memory_space<semaphore_mem>>
      %dma_start3A_174 = arith.constant 0 : i32
      %dma_start3A_175 = tpu.memref_slice %arg10[%mul3A_4, %dma_start3A_174] : memref<16384x32xf32, #tpu.memory_space<hbm>> -> memref<512x32xf32, #tpu.memory_space<hbm>>
      %dma_start3A_176 = arith.constant 0 : i32
      %dma_start3A_177 = tpu.memref_slice %arg10[%mul3A_4, %dma_start3A_176] : memref<16384x32xf32, #tpu.memory_space<hbm>> -> memref<512x32xf32, #tpu.memory_space<hbm>>
      tpu.enqueue_dma source(%arg15 : memref<512x32xf32, #tpu.memory_space<vmem>>) target(%dma_start3A_177 : memref<512x32xf32, #tpu.memory_space<hbm>>) target_semaphore(%run_scoped3A : memref<!tpu.dma_semaphore, #tpu.memory_space<semaphore_mem>>)
      %dma_wait3A_178 = arith.constant 0 : i32
      %dma_wait3A_179 = tpu.memref_slice %arg10[%mul3A_4, %dma_wait3A_178] : memref<16384x32xf32, #tpu.memory_space<hbm>> -> memref<512x32xf32, #tpu.memory_space<hbm>>
      %dma_wait3A_180 = arith.constant 0 : i32
      %dma_wait3A_181 = tpu.memref_slice %arg10[%mul3A_4, %dma_wait3A_180] : memref<16384x32xf32, #tpu.memory_space<hbm>> -> memref<512x32xf32, #tpu.memory_space<hbm>>
      tpu.wait_dma2 semaphore(%run_scoped3A : memref<!tpu.dma_semaphore, #tpu.memory_space<semaphore_mem>>) src(%arg15 : memref<512x32xf32, #tpu.memory_space<vmem>>) dst(%dma_wait3A_181 : memref<512x32xf32, #tpu.memory_space<hbm>>)
      tpu.yield
    }) : () -> ()
    %dma_start3A_94 = arith.constant 0 : i32
    %dma_start3A_95 = arith.constant 0 : i32
    %dma_start3A_96 = arith.constant 0 : i32
    %dma_start3A_97 = tpu.memref_slice %arg15[%dma_start3A_95, %dma_start3A_96] : memref<512x32xf32, #tpu.memory_space<vmem>> -> memref<128x32xf32, #tpu.memory_space<vmem>>
    %dma_start3A_98 = arith.constant 0 : i32
    %dma_start3A_99 = tpu.memref_slice %arg13[%dma_start3A_94, %dma_start3A_98] : memref<4x128xi32, #tpu.memory_space<vmem>> -> memref<1x128xi32, #tpu.memory_space<vmem>>
    %dma_start3A_100 = tpu.memref_squeeze %dma_start3A_99 : memref<1x128xi32, #tpu.memory_space<vmem>> -> memref<128xi32, #tpu.memory_space<vmem>>
    %dma_start3A_101 = arith.constant 0 : i32
    %dma_start3A_102 = arith.constant 0 : i32
    %dma_start3A_103 = tpu.memref_slice %arg5[%dma_start3A_101, %dma_start3A_102] : memref<1000000x32xf32, #tpu.memory_space<hbm>> -> memref<1000000x32xf32, #tpu.memory_space<hbm>>
    tpu.enqueue_indirect_dma source(%dma_start3A_103 : memref<1000000x32xf32, #tpu.memory_space<hbm>>) target(%dma_start3A_97 : memref<128x32xf32, #tpu.memory_space<vmem>>) offsets(%dma_start3A_100 : memref<128xi32, #tpu.memory_space<vmem>>) semaphore(%arg16 : memref<!tpu.dma_semaphore, #tpu.memory_space<semaphore_mem>>)
    %dma_start3A_104 = arith.constant 1 : i32
    %dma_start3A_105 = arith.constant 128 : i32
    %dma_start3A_106 = arith.constant 0 : i32
    %dma_start3A_107 = tpu.memref_slice %arg15[%dma_start3A_105, %dma_start3A_106] : memref<512x32xf32, #tpu.memory_space<vmem>> -> memref<128x32xf32, #tpu.memory_space<vmem>>
    %dma_start3A_108 = arith.constant 0 : i32
    %dma_start3A_109 = tpu.memref_slice %arg13[%dma_start3A_104, %dma_start3A_108] : memref<4x128xi32, #tpu.memory_space<vmem>> -> memref<1x128xi32, #tpu.memory_space<vmem>>
    %dma_start3A_110 = tpu.memref_squeeze %dma_start3A_109 : memref<1x128xi32, #tpu.memory_space<vmem>> -> memref<128xi32, #tpu.memory_space<vmem>>
    %dma_start3A_111 = arith.constant 0 : i32
    %dma_start3A_112 = arith.constant 0 : i32
    %dma_start3A_113 = tpu.memref_slice %arg5[%dma_start3A_111, %dma_start3A_112] : memref<1000000x32xf32, #tpu.memory_space<hbm>> -> memref<1000000x32xf32, #tpu.memory_space<hbm>>
    tpu.enqueue_indirect_dma source(%dma_start3A_113 : memref<1000000x32xf32, #tpu.memory_space<hbm>>) target(%dma_start3A_107 : memref<128x32xf32, #tpu.memory_space<vmem>>) offsets(%dma_start3A_110 : memref<128xi32, #tpu.memory_space<vmem>>) semaphore(%arg16 : memref<!tpu.dma_semaphore, #tpu.memory_space<semaphore_mem>>)
    %dma_start3A_114 = arith.constant 2 : i32
    %dma_start3A_115 = arith.constant 256 : i32
    %dma_start3A_116 = arith.constant 0 : i32
    %dma_start3A_117 = tpu.memref_slice %arg15[%dma_start3A_115, %dma_start3A_116] : memref<512x32xf32, #tpu.memory_space<vmem>> -> memref<128x32xf32, #tpu.memory_space<vmem>>
    %dma_start3A_118 = arith.constant 0 : i32
    %dma_start3A_119 = tpu.memref_slice %arg13[%dma_start3A_114, %dma_start3A_118] : memref<4x128xi32, #tpu.memory_space<vmem>> -> memref<1x128xi32, #tpu.memory_space<vmem>>
    %dma_start3A_120 = tpu.memref_squeeze %dma_start3A_119 : memref<1x128xi32, #tpu.memory_space<vmem>> -> memref<128xi32, #tpu.memory_space<vmem>>
    %dma_start3A_121 = arith.constant 0 : i32
    %dma_start3A_122 = arith.constant 0 : i32
    %dma_start3A_123 = tpu.memref_slice %arg5[%dma_start3A_121, %dma_start3A_122] : memref<1000000x32xf32, #tpu.memory_space<hbm>> -> memref<1000000x32xf32, #tpu.memory_space<hbm>>
    tpu.enqueue_indirect_dma source(%dma_start3A_123 : memref<1000000x32xf32, #tpu.memory_space<hbm>>) target(%dma_start3A_117 : memref<128x32xf32, #tpu.memory_space<vmem>>) offsets(%dma_start3A_120 : memref<128xi32, #tpu.memory_space<vmem>>) semaphore(%arg16 : memref<!tpu.dma_semaphore, #tpu.memory_space<semaphore_mem>>)
    %dma_start3A_124 = arith.constant 3 : i32
    %dma_start3A_125 = arith.constant 384 : i32
    %dma_start3A_126 = arith.constant 0 : i32
    %dma_start3A_127 = tpu.memref_slice %arg15[%dma_start3A_125, %dma_start3A_126] : memref<512x32xf32, #tpu.memory_space<vmem>> -> memref<128x32xf32, #tpu.memory_space<vmem>>
    %dma_start3A_128 = arith.constant 0 : i32
    %dma_start3A_129 = tpu.memref_slice %arg13[%dma_start3A_124, %dma_start3A_128] : memref<4x128xi32, #tpu.memory_space<vmem>> -> memref<1x128xi32, #tpu.memory_space<vmem>>
    %dma_start3A_130 = tpu.memref_squeeze %dma_start3A_129 : memref<1x128xi32, #tpu.memory_space<vmem>> -> memref<128xi32, #tpu.memory_space<vmem>>
    %dma_start3A_131 = arith.constant 0 : i32
    %dma_start3A_132 = arith.constant 0 : i32
    %dma_start3A_133 = tpu.memref_slice %arg5[%dma_start3A_131, %dma_start3A_132] : memref<1000000x32xf32, #tpu.memory_space<hbm>> -> memref<1000000x32xf32, #tpu.memory_space<hbm>>
    tpu.enqueue_indirect_dma source(%dma_start3A_133 : memref<1000000x32xf32, #tpu.memory_space<hbm>>) target(%dma_start3A_127 : memref<128x32xf32, #tpu.memory_space<vmem>>) offsets(%dma_start3A_130 : memref<128xi32, #tpu.memory_space<vmem>>) semaphore(%arg16 : memref<!tpu.dma_semaphore, #tpu.memory_space<semaphore_mem>>)
    %dma_wait3A_134 = arith.constant 0 : i32
    %dma_wait3A_135 = arith.constant 0 : i32
    %dma_wait3A_136 = arith.constant 0 : i32
    %dma_wait3A_137 = tpu.memref_slice %arg15[%dma_wait3A_135, %dma_wait3A_136] : memref<512x32xf32, #tpu.memory_space<vmem>> -> memref<128x32xf32, #tpu.memory_space<vmem>>
    %dma_wait3A_138 = arith.constant 0 : i32
    %dma_wait3A_139 = tpu.memref_slice %arg13[%dma_wait3A_134, %dma_wait3A_138] : memref<4x128xi32, #tpu.memory_space<vmem>> -> memref<1x128xi32, #tpu.memory_space<vmem>>
    %dma_wait3A_140 = tpu.memref_squeeze %dma_wait3A_139 : memref<1x128xi32, #tpu.memory_space<vmem>> -> memref<128xi32, #tpu.memory_space<vmem>>
    %dma_wait3A_141 = arith.constant 0 : i32
    %dma_wait3A_142 = arith.constant 0 : i32
    %dma_wait3A_143 = tpu.memref_slice %arg5[%dma_wait3A_141, %dma_wait3A_142] : memref<1000000x32xf32, #tpu.memory_space<hbm>> -> memref<1000000x32xf32, #tpu.memory_space<hbm>>
    tpu.wait_indirect_dma semaphore(%arg16 : memref<!tpu.dma_semaphore, #tpu.memory_space<semaphore_mem>>) src(%dma_wait3A_143 : memref<1000000x32xf32, #tpu.memory_space<hbm>>) dst(%dma_wait3A_137 : memref<128x32xf32, #tpu.memory_space<vmem>>)
    %dma_wait3A_144 = arith.constant 1 : i32
    %dma_wait3A_145 = arith.constant 128 : i32
    %dma_wait3A_146 = arith.constant 0 : i32
    %dma_wait3A_147 = tpu.memref_slice %arg15[%dma_wait3A_145, %dma_wait3A_146] : memref<512x32xf32, #tpu.memory_space<vmem>> -> memref<128x32xf32, #tpu.memory_space<vmem>>
    %dma_wait3A_148 = arith.constant 0 : i32
    %dma_wait3A_149 = tpu.memref_slice %arg13[%dma_wait3A_144, %dma_wait3A_148] : memref<4x128xi32, #tpu.memory_space<vmem>> -> memref<1x128xi32, #tpu.memory_space<vmem>>
    %dma_wait3A_150 = tpu.memref_squeeze %dma_wait3A_149 : memref<1x128xi32, #tpu.memory_space<vmem>> -> memref<128xi32, #tpu.memory_space<vmem>>
    %dma_wait3A_151 = arith.constant 0 : i32
    %dma_wait3A_152 = arith.constant 0 : i32
    %dma_wait3A_153 = tpu.memref_slice %arg5[%dma_wait3A_151, %dma_wait3A_152] : memref<1000000x32xf32, #tpu.memory_space<hbm>> -> memref<1000000x32xf32, #tpu.memory_space<hbm>>
    tpu.wait_indirect_dma semaphore(%arg16 : memref<!tpu.dma_semaphore, #tpu.memory_space<semaphore_mem>>) src(%dma_wait3A_153 : memref<1000000x32xf32, #tpu.memory_space<hbm>>) dst(%dma_wait3A_147 : memref<128x32xf32, #tpu.memory_space<vmem>>)
    %dma_wait3A_154 = arith.constant 2 : i32
    %dma_wait3A_155 = arith.constant 256 : i32
    %dma_wait3A_156 = arith.constant 0 : i32
    %dma_wait3A_157 = tpu.memref_slice %arg15[%dma_wait3A_155, %dma_wait3A_156] : memref<512x32xf32, #tpu.memory_space<vmem>> -> memref<128x32xf32, #tpu.memory_space<vmem>>
    %dma_wait3A_158 = arith.constant 0 : i32
    %dma_wait3A_159 = tpu.memref_slice %arg13[%dma_wait3A_154, %dma_wait3A_158] : memref<4x128xi32, #tpu.memory_space<vmem>> -> memref<1x128xi32, #tpu.memory_space<vmem>>
    %dma_wait3A_160 = tpu.memref_squeeze %dma_wait3A_159 : memref<1x128xi32, #tpu.memory_space<vmem>> -> memref<128xi32, #tpu.memory_space<vmem>>
    %dma_wait3A_161 = arith.constant 0 : i32
    %dma_wait3A_162 = arith.constant 0 : i32
    %dma_wait3A_163 = tpu.memref_slice %arg5[%dma_wait3A_161, %dma_wait3A_162] : memref<1000000x32xf32, #tpu.memory_space<hbm>> -> memref<1000000x32xf32, #tpu.memory_space<hbm>>
    tpu.wait_indirect_dma semaphore(%arg16 : memref<!tpu.dma_semaphore, #tpu.memory_space<semaphore_mem>>) src(%dma_wait3A_163 : memref<1000000x32xf32, #tpu.memory_space<hbm>>) dst(%dma_wait3A_157 : memref<128x32xf32, #tpu.memory_space<vmem>>)
    %dma_wait3A_164 = arith.constant 3 : i32
    %dma_wait3A_165 = arith.constant 384 : i32
    %dma_wait3A_166 = arith.constant 0 : i32
    %dma_wait3A_167 = tpu.memref_slice %arg15[%dma_wait3A_165, %dma_wait3A_166] : memref<512x32xf32, #tpu.memory_space<vmem>> -> memref<128x32xf32, #tpu.memory_space<vmem>>
    %dma_wait3A_168 = arith.constant 0 : i32
    %dma_wait3A_169 = tpu.memref_slice %arg13[%dma_wait3A_164, %dma_wait3A_168] : memref<4x128xi32, #tpu.memory_space<vmem>> -> memref<1x128xi32, #tpu.memory_space<vmem>>
    %dma_wait3A_170 = tpu.memref_squeeze %dma_wait3A_169 : memref<1x128xi32, #tpu.memory_space<vmem>> -> memref<128xi32, #tpu.memory_space<vmem>>
    %dma_wait3A_171 = arith.constant 0 : i32
    %dma_wait3A_172 = arith.constant 0 : i32
    %dma_wait3A_173 = tpu.memref_slice %arg5[%dma_wait3A_171, %dma_wait3A_172] : memref<1000000x32xf32, #tpu.memory_space<hbm>> -> memref<1000000x32xf32, #tpu.memory_space<hbm>>
    tpu.wait_indirect_dma semaphore(%arg16 : memref<!tpu.dma_semaphore, #tpu.memory_space<semaphore_mem>>) src(%dma_wait3A_173 : memref<1000000x32xf32, #tpu.memory_space<hbm>>) dst(%dma_wait3A_167 : memref<128x32xf32, #tpu.memory_space<vmem>>)
    "tpu.region"() ({
      %run_scoped3A = tpu.sem_alloc : memref<!tpu.dma_semaphore, #tpu.memory_space<semaphore_mem>>
      %dma_start3A_174 = arith.constant 0 : i32
      %dma_start3A_175 = tpu.memref_slice %arg11[%mul3A_4, %dma_start3A_174] : memref<16384x32xf32, #tpu.memory_space<hbm>> -> memref<512x32xf32, #tpu.memory_space<hbm>>
      %dma_start3A_176 = arith.constant 0 : i32
      %dma_start3A_177 = tpu.memref_slice %arg11[%mul3A_4, %dma_start3A_176] : memref<16384x32xf32, #tpu.memory_space<hbm>> -> memref<512x32xf32, #tpu.memory_space<hbm>>
      tpu.enqueue_dma source(%arg15 : memref<512x32xf32, #tpu.memory_space<vmem>>) target(%dma_start3A_177 : memref<512x32xf32, #tpu.memory_space<hbm>>) target_semaphore(%run_scoped3A : memref<!tpu.dma_semaphore, #tpu.memory_space<semaphore_mem>>)
      %dma_wait3A_178 = arith.constant 0 : i32
      %dma_wait3A_179 = tpu.memref_slice %arg11[%mul3A_4, %dma_wait3A_178] : memref<16384x32xf32, #tpu.memory_space<hbm>> -> memref<512x32xf32, #tpu.memory_space<hbm>>
      %dma_wait3A_180 = arith.constant 0 : i32
      %dma_wait3A_181 = tpu.memref_slice %arg11[%mul3A_4, %dma_wait3A_180] : memref<16384x32xf32, #tpu.memory_space<hbm>> -> memref<512x32xf32, #tpu.memory_space<hbm>>
      tpu.wait_dma2 semaphore(%run_scoped3A : memref<!tpu.dma_semaphore, #tpu.memory_space<semaphore_mem>>) src(%arg15 : memref<512x32xf32, #tpu.memory_space<vmem>>) dst(%dma_wait3A_181 : memref<512x32xf32, #tpu.memory_space<hbm>>)
      tpu.yield
    }) : () -> ()
    return
  }
}

module attributes {stable_mosaic.version = 14 : i64} {
  func.func @_tc_body(%arg0: i32, %arg1: memref<5x512x128xf32, #tpu.memory_space<vmem>>, %arg2: memref<5x512x128xf32, #tpu.memory_space<vmem>>, %arg3: memref<512x32xf32, #tpu.memory_space<vmem>>, %arg4: memref<512x32xf32, #tpu.memory_space<vmem>>, %arg5: memref<32x128xf32, #tpu.memory_space<vmem>>, %arg6: memref<1x128xf32, #tpu.memory_space<vmem>>, %arg7: memref<128x128xf32, #tpu.memory_space<vmem>>, %arg8: memref<128x64xf32, #tpu.memory_space<vmem>>, %arg9: memref<1x64xf32, #tpu.memory_space<vmem>>, %arg10: memref<1x32xf32, #tpu.memory_space<vmem>>, %arg11: memref<64x4xf32, #tpu.memory_space<vmem>>, %arg12: memref<128x4xf32, #tpu.memory_space<vmem>>, %arg13: memref<32x128xf32, #tpu.memory_space<vmem>>, %arg14: memref<1x1xf32, #tpu.memory_space<vmem>>, %arg15: memref<5x512x4xf32, #tpu.memory_space<vmem>>) attributes {dimension_semantics = [#tpu.dimension_semantics<arbitrary>], iteration_bounds = array<i64: 32>, scalar_prefetch = 0 : i64, scratch_operands = 0 : i64, tpu.core_type = #tpu.core_type<tc>, window_params = [{transform_indices = @transform_0, window_bounds = array<i64: 5, 512, 128>}, {transform_indices = @transform_1, window_bounds = array<i64: 5, 512, 128>}, {transform_indices = @transform_2, window_bounds = array<i64: 512, 32>}, {transform_indices = @transform_3, window_bounds = array<i64: 512, 32>}, {pipeline_mode = #tpu.pipeline_mode<synchronous>, transform_indices = @transform_4, window_bounds = array<i64: 32, 128>}, {pipeline_mode = #tpu.pipeline_mode<synchronous>, transform_indices = @transform_5, window_bounds = array<i64: 1, 128>}, {pipeline_mode = #tpu.pipeline_mode<synchronous>, transform_indices = @transform_6, window_bounds = array<i64: 128, 128>}, {pipeline_mode = #tpu.pipeline_mode<synchronous>, transform_indices = @transform_7, window_bounds = array<i64: 128, 64>}, {pipeline_mode = #tpu.pipeline_mode<synchronous>, transform_indices = @transform_8, window_bounds = array<i64: 1, 64>}, {pipeline_mode = #tpu.pipeline_mode<synchronous>, transform_indices = @transform_9, window_bounds = array<i64: 1, 32>}, {pipeline_mode = #tpu.pipeline_mode<synchronous>, transform_indices = @transform_10, window_bounds = array<i64: 64, 4>}, {pipeline_mode = #tpu.pipeline_mode<synchronous>, transform_indices = @transform_11, window_bounds = array<i64: 128, 4>}, {pipeline_mode = #tpu.pipeline_mode<synchronous>, transform_indices = @transform_12, window_bounds = array<i64: 32, 128>}, {pipeline_mode = #tpu.pipeline_mode<synchronous>, transform_indices = @transform_13, window_bounds = array<i64: 1, 1>}, {transform_indices = @transform_14, window_bounds = array<i64: 5, 512, 4>}]} {
    %get3A = arith.constant 0 : index
    %get3A_0 = arith.constant 0 : index
    %get3A_1 = vector.load %arg3[%get3A, %get3A_0] : memref<512x32xf32, #tpu.memory_space<vmem>>, vector<512x32xf32>
    %get3A_2 = arith.constant 0 : index
    %get3A_3 = arith.constant 0 : index
    %get3A_4 = vector.load %arg5[%get3A_2, %get3A_3] : memref<32x128xf32, #tpu.memory_space<vmem>>, vector<32x128xf32>
    %dot_general3A = arith.constant dense<0.000000e+00> : vector<512x128xf32>
    %dot_general3A_5 = tpu.matmul %get3A_1, %get3A_4, %dot_general3A {dimension_numbers = #tpu.dot_dimension_numbers<[1], [0], [0], [1], [0, 0, 1, 1], [], []>, transpose_lhs_hint = false} : vector<512x32xf32>, vector<32x128xf32>, vector<512x128xf32> -> vector<512x128xf32>
    %get3A_6 = arith.constant 0 : index
    %get3A_7 = arith.constant 0 : index
    %get3A_8 = vector.load %arg6[%get3A_6, %get3A_7] : memref<1x128xf32, #tpu.memory_space<vmem>>, vector<1x128xf32>
    %add3A = vector.broadcast %get3A_8 : vector<1x128xf32> to vector<512x128xf32>
    %add3A_9 = arith.addf %dot_general3A_5, %add3A : vector<512x128xf32>
    %get3A_10 = arith.constant 0 : index
    %get3A_11 = arith.constant 0 : index
    %get3A_12 = vector.load %arg4[%get3A_10, %get3A_11] : memref<512x32xf32, #tpu.memory_space<vmem>>, vector<512x32xf32>
    %get3A_13 = arith.constant 0 : index
    %get3A_14 = arith.constant 0 : index
    %get3A_15 = vector.load %arg10[%get3A_13, %get3A_14] : memref<1x32xf32, #tpu.memory_space<vmem>>, vector<1x32xf32>
    %mul3A = vector.broadcast %get3A_15 : vector<1x32xf32> to vector<512x32xf32>
    %mul3A_16 = arith.mulf %get3A_12, %mul3A : vector<512x32xf32>
    %get3A_17 = arith.constant 0 : index
    %get3A_18 = arith.constant 0 : index
    %get3A_19 = vector.load %arg13[%get3A_17, %get3A_18] : memref<32x128xf32, #tpu.memory_space<vmem>>, vector<32x128xf32>
    %dot_general3A_20 = arith.constant dense<0.000000e+00> : vector<512x128xf32>
    %dot_general3A_21 = tpu.matmul %mul3A_16, %get3A_19, %dot_general3A_20 {dimension_numbers = #tpu.dot_dimension_numbers<[1], [0], [0], [1], [0, 0, 1, 1], [], []>, transpose_lhs_hint = false} : vector<512x32xf32>, vector<32x128xf32>, vector<512x128xf32> -> vector<512x128xf32>
    %broadcast_in_dim3A = vector.shape_cast %add3A_9 : vector<512x128xf32> to vector<1x512x128xf32>
    %broadcast_in_dim3A_22 = vector.shape_cast %broadcast_in_dim3A : vector<1x512x128xf32> to vector<1x512x128xf32>
    %broadcast_in_dim3A_23 = vector.broadcast %broadcast_in_dim3A_22 : vector<1x512x128xf32> to vector<5x512x128xf32>
    %reshape3A = vector.shape_cast %broadcast_in_dim3A_23 : vector<5x512x128xf32> to vector<2560x128xf32>
    %broadcast_in_dim3A_24 = vector.shape_cast %dot_general3A_21 : vector<512x128xf32> to vector<1x512x128xf32>
    %broadcast_in_dim3A_25 = vector.shape_cast %broadcast_in_dim3A_24 : vector<1x512x128xf32> to vector<1x512x128xf32>
    %broadcast_in_dim3A_26 = vector.broadcast %broadcast_in_dim3A_25 : vector<1x512x128xf32> to vector<5x512x128xf32>
    %reshape3A_27 = vector.shape_cast %broadcast_in_dim3A_26 : vector<5x512x128xf32> to vector<2560x128xf32>
    %get3A_28 = arith.constant 0 : index
    %get3A_29 = arith.constant 0 : index
    %get3A_30 = arith.constant 0 : index
    %get3A_31 = vector.load %arg1[%get3A_28, %get3A_29, %get3A_30] : memref<5x512x128xf32, #tpu.memory_space<vmem>>, vector<5x512x128xf32>
    %reshape3A_32 = vector.shape_cast %get3A_31 : vector<5x512x128xf32> to vector<2560x128xf32>
    %get3A_33 = arith.constant 0 : index
    %get3A_34 = arith.constant 0 : index
    %get3A_35 = arith.constant 0 : index
    %get3A_36 = vector.load %arg2[%get3A_33, %get3A_34, %get3A_35] : memref<5x512x128xf32, #tpu.memory_space<vmem>>, vector<5x512x128xf32>
    %reshape3A_37 = vector.shape_cast %get3A_36 : vector<5x512x128xf32> to vector<2560x128xf32>
    %get3A_38 = arith.constant 0 : index
    %get3A_39 = arith.constant 0 : index
    %get3A_40 = vector.load %arg7[%get3A_38, %get3A_39] : memref<128x128xf32, #tpu.memory_space<vmem>>, vector<128x128xf32>
    %dot_general3A_41 = arith.constant dense<0.000000e+00> : vector<2560x128xf32>
    %dot_general3A_42 = tpu.matmul %reshape3A_32, %get3A_40, %dot_general3A_41 {dimension_numbers = #tpu.dot_dimension_numbers<[1], [0], [0], [1], [0, 0, 1, 1], [], []>, transpose_lhs_hint = false} : vector<2560x128xf32>, vector<128x128xf32>, vector<2560x128xf32> -> vector<2560x128xf32>
    %add3A_43 = arith.addf %dot_general3A_42, %reshape3A : vector<2560x128xf32>
    %max3A = arith.constant 0.000000e+00 : f32
    %max3A_44 = vector.broadcast %max3A : f32 to vector<2560x128xf32>
    %max3A_45 = arith.maximumf %add3A_43, %max3A_44 : vector<2560x128xf32>
    %get3A_46 = arith.constant 0 : index
    %get3A_47 = arith.constant 0 : index
    %get3A_48 = vector.load %arg8[%get3A_46, %get3A_47] : memref<128x64xf32, #tpu.memory_space<vmem>>, vector<128x64xf32>
    %dot_general3A_49 = arith.constant dense<0.000000e+00> : vector<2560x64xf32>
    %dot_general3A_50 = tpu.matmul %max3A_45, %get3A_48, %dot_general3A_49 {dimension_numbers = #tpu.dot_dimension_numbers<[1], [0], [0], [1], [0, 0, 1, 1], [], []>, transpose_lhs_hint = false} : vector<2560x128xf32>, vector<128x64xf32>, vector<2560x64xf32> -> vector<2560x64xf32>
    %get3A_51 = arith.constant 0 : index
    %get3A_52 = arith.constant 0 : index
    %get3A_53 = vector.load %arg9[%get3A_51, %get3A_52] : memref<1x64xf32, #tpu.memory_space<vmem>>, vector<1x64xf32>
    %add3A_54 = vector.broadcast %get3A_53 : vector<1x64xf32> to vector<2560x64xf32>
    %add3A_55 = arith.addf %dot_general3A_50, %add3A_54 : vector<2560x64xf32>
    %max3A_56 = arith.constant 0.000000e+00 : f32
    %max3A_57 = vector.broadcast %max3A_56 : f32 to vector<2560x64xf32>
    %max3A_58 = arith.maximumf %add3A_55, %max3A_57 : vector<2560x64xf32>
    %get3A_59 = arith.constant 0 : index
    %get3A_60 = arith.constant 0 : index
    %get3A_61 = vector.load %arg11[%get3A_59, %get3A_60] : memref<64x4xf32, #tpu.memory_space<vmem>>, vector<64x4xf32>
    %dot_general3A_62 = arith.constant dense<0.000000e+00> : vector<2560x4xf32>
    %dot_general3A_63 = tpu.matmul %max3A_58, %get3A_61, %dot_general3A_62 {dimension_numbers = #tpu.dot_dimension_numbers<[1], [0], [0], [1], [0, 0, 1, 1], [], []>, transpose_lhs_hint = false} : vector<2560x64xf32>, vector<64x4xf32>, vector<2560x4xf32> -> vector<2560x4xf32>
    %mul3A_64 = arith.mulf %reshape3A_37, %reshape3A_27 : vector<2560x128xf32>
    %get3A_65 = arith.constant 0 : index
    %get3A_66 = arith.constant 0 : index
    %get3A_67 = vector.load %arg12[%get3A_65, %get3A_66] : memref<128x4xf32, #tpu.memory_space<vmem>>, vector<128x4xf32>
    %dot_general3A_68 = arith.constant dense<0.000000e+00> : vector<2560x4xf32>
    %dot_general3A_69 = tpu.matmul %mul3A_64, %get3A_67, %dot_general3A_68 {dimension_numbers = #tpu.dot_dimension_numbers<[1], [0], [0], [1], [0, 0, 1, 1], [], []>, transpose_lhs_hint = false} : vector<2560x128xf32>, vector<128x4xf32>, vector<2560x4xf32> -> vector<2560x4xf32>
    %add3A_70 = arith.addf %dot_general3A_63, %dot_general3A_69 : vector<2560x4xf32>
    %get3A_71 = arith.constant 0 : index
    %get3A_72 = arith.constant 0 : index
    %get3A_73 = vector.load %arg14[%get3A_71, %get3A_72] : memref<1x1xf32, #tpu.memory_space<vmem>>, vector<1x1xf32>
    %add3A_74 = vector.broadcast %get3A_73 : vector<1x1xf32> to vector<2560x4xf32>
    %add3A_75 = arith.addf %add3A_70, %add3A_74 : vector<2560x4xf32>
    %reshape3A_76 = vector.shape_cast %add3A_75 : vector<2560x4xf32> to vector<5x512x4xf32>
    %swap3A = arith.constant 0 : index
    %swap3A_77 = arith.constant 0 : index
    %swap3A_78 = arith.constant 0 : index
    %swap3A_79 = vector.load %arg15[%swap3A, %swap3A_77, %swap3A_78] : memref<5x512x4xf32, #tpu.memory_space<vmem>>, vector<5x512x4xf32>
    tpu.vector_store %arg15[%swap3A, %swap3A_77, %swap3A_78], %reshape3A_76 {strides = array<i32>} : memref<5x512x4xf32, #tpu.memory_space<vmem>>, vector<5x512x4xf32>,
    return
  }
  func.func @transform_0(%arg0: i32) -> (i32, i32, i32) {
    %c0_i32 = arith.constant 0 : i32
    %c0_i32_0 = arith.constant 0 : i32
    %c0_i32_1 = arith.constant 0 : i32
    return %c0_i32, %arg0, %c0_i32_0 : i32, i32, i32
  }
  func.func @transform_1(%arg0: i32) -> (i32, i32, i32) {
    %c0_i32 = arith.constant 0 : i32
    %c0_i32_0 = arith.constant 0 : i32
    %c0_i32_1 = arith.constant 0 : i32
    return %c0_i32, %arg0, %c0_i32_0 : i32, i32, i32
  }
  func.func @transform_2(%arg0: i32) -> (i32, i32) {
    %c0_i32 = arith.constant 0 : i32
    %c0_i32_0 = arith.constant 0 : i32
    return %arg0, %c0_i32 : i32, i32
  }
  func.func @transform_3(%arg0: i32) -> (i32, i32) {
    %c0_i32 = arith.constant 0 : i32
    %c0_i32_0 = arith.constant 0 : i32
    return %arg0, %c0_i32 : i32, i32
  }
  func.func @transform_4(%arg0: i32) -> (i32, i32) {
    %c0_i32 = arith.constant 0 : i32
    %c0_i32_0 = arith.constant 0 : i32
    %c0_i32_1 = arith.constant 0 : i32
    return %c0_i32, %c0_i32_0 : i32, i32
  }
  func.func @transform_5(%arg0: i32) -> (i32, i32) {
    %c0_i32 = arith.constant 0 : i32
    %c0_i32_0 = arith.constant 0 : i32
    %c0_i32_1 = arith.constant 0 : i32
    return %c0_i32, %c0_i32_0 : i32, i32
  }
  func.func @transform_6(%arg0: i32) -> (i32, i32) {
    %c0_i32 = arith.constant 0 : i32
    %c0_i32_0 = arith.constant 0 : i32
    %c0_i32_1 = arith.constant 0 : i32
    return %c0_i32, %c0_i32_0 : i32, i32
  }
  func.func @transform_7(%arg0: i32) -> (i32, i32) {
    %c0_i32 = arith.constant 0 : i32
    %c0_i32_0 = arith.constant 0 : i32
    %c0_i32_1 = arith.constant 0 : i32
    return %c0_i32, %c0_i32_0 : i32, i32
  }
  func.func @transform_8(%arg0: i32) -> (i32, i32) {
    %c0_i32 = arith.constant 0 : i32
    %c0_i32_0 = arith.constant 0 : i32
    %c0_i32_1 = arith.constant 0 : i32
    return %c0_i32, %c0_i32_0 : i32, i32
  }
  func.func @transform_9(%arg0: i32) -> (i32, i32) {
    %c0_i32 = arith.constant 0 : i32
    %c0_i32_0 = arith.constant 0 : i32
    %c0_i32_1 = arith.constant 0 : i32
    return %c0_i32, %c0_i32_0 : i32, i32
  }
  func.func @transform_10(%arg0: i32) -> (i32, i32) {
    %c0_i32 = arith.constant 0 : i32
    %c0_i32_0 = arith.constant 0 : i32
    %c0_i32_1 = arith.constant 0 : i32
    return %c0_i32, %c0_i32_0 : i32, i32
  }
  func.func @transform_11(%arg0: i32) -> (i32, i32) {
    %c0_i32 = arith.constant 0 : i32
    %c0_i32_0 = arith.constant 0 : i32
    %c0_i32_1 = arith.constant 0 : i32
    return %c0_i32, %c0_i32_0 : i32, i32
  }
  func.func @transform_12(%arg0: i32) -> (i32, i32) {
    %c0_i32 = arith.constant 0 : i32
    %c0_i32_0 = arith.constant 0 : i32
    %c0_i32_1 = arith.constant 0 : i32
    return %c0_i32, %c0_i32_0 : i32, i32
  }
  func.func @transform_13(%arg0: i32) -> (i32, i32) {
    %c0_i32 = arith.constant 0 : i32
    %c0_i32_0 = arith.constant 0 : i32
    %c0_i32_1 = arith.constant 0 : i32
    return %c0_i32, %c0_i32_0 : i32, i32
  }
  func.func @transform_14(%arg0: i32) -> (i32, i32, i32) {
    %c0_i32 = arith.constant 0 : i32
    %c0_i32_0 = arith.constant 0 : i32
    %c0_i32_1 = arith.constant 0 : i32
    return %c0_i32, %arg0, %c0_i32_0 : i32, i32, i32
  }
}

</mosaic_0001>

<sc_bundles>
// kernel: kernel.4.cloned.1.call-start
scs
__scs_entry_jumppad:
0x0: {  	(pc) =	sbr.rel $0x88, $3  }
0x1: {  	(tag) =	ssettag $0x0;
	lr =	simm.s32 $0x1  }
0x2: {  	[smem:$0x3F95] =	sst lr;
	_ =	strace $0xD0000000  }
0x3: {  	_ = 	snop  }
0x4: {  	_ = 	snop  }
0x5: {  	_ = 	snop  }
0x6: {  	_ = 	snop  }
0x7: {  	_ = 	snop  }
__scs_overlays_trampoline_lowered:
0x8: {  	[smem:$0x3FA4] =	sst s0  }
0x9: {  	[smem:$0x3FA5] =	sst s1  }
0xa: {  	[smem:$0x3FA6] =	sst s2  }
0xb: {  	[smem:$0x3FA7] =	sst s3  }
0xc: {  	[smem:$0x3FA8] =	sst s4  }
0xd: {  	[smem:$0x3FA9] =	sst s5  }
0xe: {  	[smem:$0x3FAA] =	sst s6  }
0xf: {  	[smem:$0x3FAB] =	sst s7  }
0x10: {  	[smem:$0x3FAC] =	sst s8  }
0x11: {  	[smem:$0x3FAD] =	sst s9;
	s0 =	simm.s32 @!p0 $0x0  }
0x12: {  	s1 =	sld [smem:$0x3F93];
	s0 =	simm.s32 @p0 $0x1  }
0x13: {  	[smem:$0x3FAE] =	sst s0;
	s0 =	simm.s32 @!p1 $0x0  }
0x14: {  	s2 =	sld [smem:$0x3F92];
	s0 =	simm.s32 @p1 $0x1  }
0x15: {  	[smem:$0x3FAF] =	sst s0;
	s0 =	simm.s32 @!p2 $0x0  }
0x16: {  	s3 =	sld [smem:$0x3FDB];
	s0 =	simm.s32 @p2 $0x1  }
0x17: {  	s4 =	simm.s32 $0x1BF5;
	[smem:$0x3FB1] =	sst s0  }
0x18: {  	s0 =	sld [smem:$0x3F94];
	_ =	swait.ge [sflag:s4], $0x0  }
0x19: {  	s7 =	sld [smem:$0x3F95]  }
0x1a: {  	s8 =	sadd.s32 $0xFFFFE003, lr  }
0x1b: {  	s9 =	sadd.s32 $0xFFFFFEF7, lr;
	s5 =	simm.s32 $0xFFFFFFFF;
	p2 =	slt.u32 s8, $0xFFFFF086  }
0x1c: {  	p1 =	slt.u32 s9, $0xF7A;
	s5 =	simm.s32 @!p2 $0x0  }
0x1d: {  	s5 =	simm.s32 @p1 $0x1;
	p0 =	seq.s32 s7, s2  }
0x1e: {  	s7 =	smul.u32 @!p0 $0xF7A, s2;
	p2 =	seq.s32 @!p0 s5, $0x0  }
0x1f: {  	s9 =	smul.u32 $0xF7A, s1;
	s8 =	simm.s32 @!p0 $0x1BF5;
	p2 =	por !p2, p0  }
0x20: {  	[sflag:s8] =	ssyncset.s32 @!p0 $0xFFFFF086;
	s6 =	sadd.s32 @!p0 s3, s7;
	s7 =	simm.s32 @!p0 $0x108  }
0x21: {  	s3 =	sadd.s32 s3, s9;
	s6 =	sadd.s32 @!p0 $0x88, s6;
	s7 =	simm.s32 @p2 $0x1082  }
0x22: {  	[simem:s7], [sflag:s8] =	dma.local @!p0 [hbm:s6], $0xF7A  }
0x23: {  	s9 =	sor.u32 $0xD0000000, s2;
	s6 =	simm.s32 $0x108;
	_ =	swait.ge @!p0 [sflag:s8], $0x0  }
0x24: {  	s3 =	sadd.s32 $0x88, s3;
	s6 =	simm.s32 @!p1 $0x1082;
	[sflag:s4] =	ssyncset.s32 $0xFFFFF086  }
0x25: {  	[simem:s6], [sflag:s4] =	dma.local [hbm:s3], $0xF7A  }
0x26: {  	[smem:$0x3F95] =	sst s1;
	(tag) =	ssettag s2;
	_ =	strace s9  }
0x27: {  	s1 =	sld [smem:$0x3FA5]  }
0x28: {  	s2 =	sld [smem:$0x3FA6]  }
0x29: {  	s4 =	sld [smem:$0x3FA8]  }
0x2a: {  	p0 =	seq.s32 s5, $0x0;
	s5 =	sld [smem:$0x3FA9]  }
0x2b: {  	s6 =	sld [smem:$0x3FAA]  }
0x2c: {  	s7 =	sld [smem:$0x3FAB]  }
0x2d: {  	s3 =	simm.s32 $0x108;
	s8 =	sld [smem:$0x3FAC]  }
0x2e: {  	s3 =	simm.s32 @!p0 $0x1082;
	s9 =	sld [smem:$0x3FAD]  }
0x2f: {  	lr =	sadd.s32 s0, s3;
	s0 =	sld [smem:$0x3FA4]  }
0x30: {  	s3 =	sld [smem:$0x3FA7]  }
0x31: {  	[smem:$0x3FB0] =	sst s10  }
0x32: {  	s10 =	sld [smem:$0x3FAE];
	_ =	sdelay $0x3  }
0x33: {  	p0 =	seq.s32 s10, $0x1;
	s10 =	sld [smem:$0x3FB0];
	_ =	sdelay $0x3  }
0x34: {  	[smem:$0x3FB0] =	sst s10  }
0x35: {  	s10 =	sld [smem:$0x3FAF];
	_ =	sdelay $0x3  }
0x36: {  	p1 =	seq.s32 s10, $0x1;
	s10 =	sld [smem:$0x3FB0];
	_ =	sdelay $0x3  }
0x37: {  	[smem:$0x3FB0] =	sst s10  }
0x38: {  	s10 =	sld [smem:$0x3FB1]  }
0x39: {  	_ = 	snop;
	(pc) =	sbr.ind lr, $3  }
0x3a: {  	_ = 	snop  }
0x3b: {  	_ = 	snop  }
0x3c: {  	p2 =	seq.s32 s10, $0x1;
	s10 =	sld [smem:$0x3FB0]  }
0x3d: {  	_ =	shalt  }
0x3e: {  	_ =	shalt  }
0x3f: {  	_ =	shalt  }
0x40: {  	_ =	shalt  }
0x41: {  	_ =	shalt  }
0x42: {  	_ =	shalt  }
0x43: {  	_ =	shalt  }
0x44: {  	_ =	shalt  }
0x45: {  	_ =	shalt  }
0x46: {  	_ =	shalt  }
0x47: {  	_ =	shalt  }
0x48: {  	_ =	shalt  }
0x49: {  	_ =	shalt  }
0x4a: {  	_ =	shalt  }
0x4b: {  	_ =	shalt  }
0x4c: {  	_ =	shalt  }
0x4d: {  	_ =	shalt  }
0x4e: {  	_ =	shalt  }
0x4f: {  	_ =	shalt  }
0x50: {  	_ =	shalt  }
0x51: {  	_ =	shalt  }
0x52: {  	_ =	shalt  }
0x53: {  	_ =	shalt  }
0x54: {  	_ =	shalt  }
0x55: {  	_ =	shalt  }
0x56: {  	_ =	shalt  }
0x57: {  	_ =	shalt  }
0x58: {  	_ =	shalt  }
0x59: {  	_ =	shalt  }
0x5a: {  	_ =	shalt  }
0x5b: {  	_ =	shalt  }
0x5c: {  	_ =	shalt  }
0x5d: {  	_ =	shalt  }
0x5e: {  	_ =	shalt  }
0x5f: {  	_ =	shalt  }
0x60: {  	_ =	shalt  }
0x61: {  	_ =	shalt  }
0x62: {  	_ =	shalt  }
0x63: {  	_ =	shalt  }
0x64: {  	_ =	shalt  }
0x65: {  	_ =	shalt  }
0x66: {  	_ =	shalt  }
0x67: {  	_ =	shalt  }
0x68: {  	_ =	shalt  }
0x69: {  	_ =	shalt  }
0x6a: {  	_ =	shalt  }
0x6b: {  	_ =	shalt  }
0x6c: {  	_ =	shalt  }
0x6d: {  	_ =	shalt  }
0x6e: {  	_ =	shalt  }
0x6f: {  	_ =	shalt  }
0x70: {  	_ =	shalt  }
0x71: {  	_ =	shalt  }
0x72: {  	_ =	shalt  }
0x73: {  	_ =	shalt  }
0x74: {  	_ =	shalt  }
0x75: {  	_ =	shalt  }
0x76: {  	_ =	shalt  }
0x77: {  	_ =	shalt  }
0x78: {  	_ =	shalt  }
0x79: {  	_ =	shalt  }
0x7a: {  	_ =	shalt  }
0x7b: {  	_ =	shalt  }
0x7c: {  	_ =	shalt  }
0x7d: {  	_ =	shalt  }
0x7e: {  	_ =	shalt  }
0x7f: {  	_ =	shalt  }
0x80: {  	_ =	shalt  }
0x81: {  	_ =	shalt  }
0x82: {  	_ =	shalt  }
0x83: {  	_ =	shalt  }
0x84: {  	_ =	shalt  }
0x85: {  	_ =	shalt  }
0x86: {  	_ =	shalt  }
0x87: {  	_ =	shalt  }
.Lfunc_end0:
.L_simem_size_0:
called_computation_lowered:
.L_overlay_start_0:
0x88: {  	s2 =	sld [smem:$0x3FD9]  }
0x89: {  	s3 =	sld [smem:$0x3FFE];
	_ =	sdelay $0x1  }
0x8a: {  	s1 =	srdreg.scid  }
0x8b: {  	s0 =	sand.u32 $0x1, s1  }
0x8c: {  	s17 =	sshll.u32 s0, $0xA;
	s2 =	sadd.s32 s3, s2  }
0x8d: {  	s2 =	sadd.s32 s2, s17  }
0x8e: {  	[smem:$0x3FBC] =	sst s2  }
0x8f: {  	_ = 	snop  }
0x90: {  	s2 =	sld [smem:$0x3FC9]  }
0x91: {  	s18 =	sld [smem:$0x3FD0];
	(tm) =	ssettm $0x1  }
0x92: {  	s4 =	sld [smem:$0x3FFB];
	_ =	sdelay $0x3  }
0x93: {  	_ =	strace s4  }
0x94: {  	s4 =	sld [smem:$0x3FFC];
	_ =	sdelay $0x3  }
0x95: {  	_ =	strace s4  }
0x96: {  	s4 =	sld [smem:$0x3FFD];
	_ =	sdelay $0x3  }
0x97: {  	_ =	strace s4  }
0x98: {  	_ =	strace $0x8FFFFFFF  }
0x99: {  	s19 =	sld [smem:$0x3FDB];
	_ =	sdelay $0x1  }
0x9a: {  	s5 =	simm.s32 $_scs_section_size  }
0x9b: {  	s6 =	simm.s32 $_size__tile_overlayer_lowered;
	s7 =	simm.s32 $_tile_overlayer_lowered  }
0x9c: {  	s22 =	simm.s32 $0x1BFF;
	s21 =	sshll.u32 s7, $0x1;
	s4 =	sadd.s32 s5, s19  }
0x9d: {  	s8 =	simm.s32 $0x0;
	s20 =	sshll.u32 s6, $0x1;
	s6 =	sadd.s32 s21, s4  }
0x9e: {  	[timem:s8], [sflag:s22] =	dma.local [hbm:s6], s20  }
0x9f: {  	_ =	swait.ge [sflag:s22], s20  }
0xa0: {  	s5 =	ssub.s32 $0x0, s20;
	[sflag:s22] =	ssyncset.done $0x0  }
0xa1: {  	[sflag:s22] =	ssyncadd.s32 s5;
	_ =	sdelay $0x1  }
0xa2: {  	s23 =	simm.s32 $0x1B8B  }
0xa3: {  	_ =	swait.ge [sflag:s23], $0x1  }
0xa4: {  	[sflag:s23] =	ssyncset.done $0x0  }
0xa5: {  	s25 =	simm.s32 $0x1B8E;
	s24 =	sld [smem:$0x3FFE];
	[sflag:s23] =	ssyncadd.s32 $0xFFFFFFFF  }
0xa6: {  	s26 =	simm.s32 $execute0_lowered;
	[smem:$0x3FD2] =	sst s25  }
0xa7: {  	s6 =	sshll.u32 s26, $0x1;
	_ =	strace $0x80000046;
	[dreg:$0x1] =	wrdreg $0xFFFFFFFF  }
0xa8: {  	s28 =	simm.s32 $_size_execute0_lowered;
	s4 =	sadd.s32 s4, s6;
	[dreg:$0x0] =	wrdreg $0x0  }
0xa9: {  	s6 =	sshll.u32 s28, $0x1;
	[dreg:$0x2] =	wrdreg s4  }
0xaa: {  	[dreg:$0x3] =	wrdreg s6  }
0xab: {  	[dreg:$0x4] =	wrdreg $0xC0  }
0xac: {  	_ =	task [dreg:s8], $0x5FFFF  }
0xad: {  	[dreg:$0x1] =	wrdreg $0xFFFFFFFF  }
0xae: {  	[dreg:$0x0] =	wrdreg $0x60  }
0xaf: {  	[dreg:$0x2] =	wrdreg s24  }
0xb0: {  	[dreg:$0x3] =	wrdreg s18  }
0xb1: {  	[dreg:$0x4] =	wrdreg s2  }
0xb2: {  	[dreg:$0x5] =	wrdreg $0x9  }
0xb3: {  	_ =	task.clear_ibuf [dreg:s8], $0x6FFFF;
	_ =	strace $0x90000046  }
0xb4: {  	s29 =	simm.s32 $0x9;
	_ =	strace $0x80000048  }
0xb5: {  	_ =	swait.ge [sflag:s29], $0x1  }
0xb6: {  	[sflag:s29] =	ssyncadd.s32 $0xFFFFFFFF  }
0xb7: {  	_ =	strace $0x90000048  }
0xb8: {  	_ =	sfence  }
0xb9: {  	s30 =	sld [smem:$0x0];
	_ =	sdelay $0x2  }
0xba: {  	s31 =	sshll.u32 s1, $0xD;
	s1 =	sshrl.u32 s1, $0x2  }
0xbb: {  	s3 =	sand.u32 $0x4000, s31;
	s1 =	sadd.s32 s1, s30  }
0xbc: {  	s0 =	sor.u32 s3, s0;
	s1 =	sshll.u32 s1, $0x11  }
0xbd: {  	s0 =	sor.u32 s1, s0  }
0xbe: {  	s0 =	sadd.s32 $0x8F2B, s0  }
0xbf: {  	[sflag:s0] =	ssyncadd.remote.s32 $0x1  }
0xc0: {  	_ =	sfence.sel $0xFFFF  }
0xc1: {  	[dreg:$0x0] =	wrdreg $0xFFFFFFFF;
	(pc) =	sbr.abs _section_cstart, $3  }
0xc2: {  	[dreg:$0x1] =	wrdreg $0xFFFFFFFF  }
0xc3: {  	_ =	task.clear_ibuf [dreg:s8], $0x2FFFF;
	_ =	strace $0x9FFFFFFF  }
0xc4: {  	(tm) =	ssettm $0x7FFFFFFF  }
0xc5: {  	_ =	shalt  }
tec
execute0_lowered:
.L_overlay_start_1:
0x0: {  	(tag) =	ssettag $0x1  }
0x1: {  	s0 =	rddreg [dreg:$0x0]  }
0x2: {  	s1 =	rddreg [dreg:$0x1]  }
0x3: {  	s7 =	rddreg [dreg:$0x2]  }
0x4: {  	s2 =	simm.s32 $0x0;
	s3 =	srdreg.scid;
	s10 =	stileid.u32  }
0x5: {  	s14 =	simm.s32 $0x80;
	s15 =	simm.s32 $0x2A00;
	s16 =	simm.s32 $0x3A00  }
0x6: {  	s17 =	simm.s32 $0x4A00;
	s18 =	simm.s32 $0x5A00;
	s19 =	simm.s32 $0x6A00  }
0x7: {  	s28 =	simm.s32 $0xEA00;
	s29 =	simm.s32 $0xFA00;
	s30 =	simm.s32 $0x10A00  }
0x8: {  	s31 =	simm.s32 $0x11A00;
	[smem:$0x7FF] =	sst s2;
	s6 =	smul.u32 $0xA0000, s10  }
0x9: {  	s8 =	sand.u32 $0x1, s3;
	s3 =	sadd.s32 $0xF43A00, s0;
	s4 =	sadd.s32 $0x1314400, s0  }
0xa: {  	s5 =	sadd.s32 $0x16E4E00, s0;
	s10 =	sshll.u32 s10, $0x1;
	s20 =	sadd.s32 $0x1AB5800, s0  }
0xb: {  	_ =	strace $0x80000047;
	s9 =	smul.u32 $0x50000, s8;
	[dreg:$0xb] =	wrdreg s5  }
0xc: {  	[dreg:$0xc] =	wrdreg s20;
	s10 =	sor.u32 s8, s10;
	s8 =	ssub.s32 $0x2, s8  }
0xd: {  	s20 =	simm.s32 $0x7A00;
	s5 =	simm.s32 $0x12A00;
	s11 =	sshll.u32 s10, $0xB  }
0xe: {  	s12 =	smul.u32 $0x500, s10;
	s21 =	sshrl.u32 s8, $0x1;
	s22 =	sshll.u32 s10, $0x6  }
0xf: {  	s9 =	sadd.s32 s9, s6;
	s8 =	ssub.s32 s8, s21;
	s21 =	simm.s32 $0x8A00  }
0x10: {  	s9 =	sshrl.u32 s9, $0x3;
	s1 =	sadd.s32 s1, s12;
	s26 =	smax.u32 s8, $0x1  }
0x11: {  	s12 =	simm.s32 $0x2;
	s9 =	sadd.s32 s9, s0;
	[dreg:$0x6] =	wrdreg s1  }
0x12: {  	s0 =	sadd.s32 s11, s0;
	s1 =	sadd.s32 s7, s22;
	[dreg:$0xa] =	wrdreg s26  }
0x13: {  	s8 =	simm.s32 $0x15A00;
	[dreg:$0x7] =	wrdreg s1;
	s23 =	sadd.s32 $0x11600, s0  }
0x14: {  	s22 =	simm.s32 $0x9A00;
	s0 =	sadd.s32 $0x1600, s0;
	[dreg:$0x8] =	wrdreg s23  }
0x15: {  	s26 =	simm.s32 $0xDA00;
	s24 =	sadd.s32 $0x21600, s9;
	[dreg:$0x9] =	wrdreg s0  }
0x16: {  	s25 =	sadd.s32 $0x161600, s9;
	s9 =	simm.s32 $0x2800;
	[dreg:$0x4] =	wrdreg s24  }
0x17: {  	s1 =	simm.s32 $0x0;
	[dreg:$0x5] =	wrdreg s25;
	s23 =	simm.s32 $0xAA00  }
0x18: {  	s24 =	simm.s32 $0xBA00;
	s25 =	simm.s32 $0xCA00;
	s0 =	simm.s32 $0x1  }
.LBB2_1:
0x19: {  	s7 =	rddreg [dreg:$0x6]  }
0x1a: {  	[tilespmem:s2], [sflag:$0x2] =	stream.linear.gather [hbm4b:s7+s2], $0x2800, $0x38;
	[tilespmem:$0x16A00] =	vst v63  }
0x1b: {  	_ =	swait.ge [sflag:s12], $0x2800  }
0x1c: {  	[sflag:s12] =	ssyncset.done $0x0  }
0x1d: {  	s10 =	rddreg [dreg:$0x7];
	[sflag:s12] =	ssyncadd.s32 $0xFFFFD800  }
0x1e: {  	[tilespmem:s9], [sflag:$0x2] =	stream.linear.gather [hbm4b:s10+s2], $0x200, $0x38;
	[tilespmem:$0x16A00] =	vst v63  }
0x1f: {  	_ =	swait.ge [sflag:s12], $0x200  }
0x20: {  	[sflag:s12] =	ssyncset.done $0x0  }
0x21: {  	s11 =	simm.s32 $0x0;
	[sflag:s12] =	ssyncadd.s32 $0xFFFFFE00  }
0x22: {  	[tilespmem:s15], [sflag:$0x1] =	stream.indirect.gather [hbm4b:s3+s14], $0x20, s11, s14, $0xb8;
	[tilespmem:$0x16A00] =	vst v63  }
0x23: {  	s13 =	simm.s32 $0x80  }
0x24: {  	[tilespmem:s16], [sflag:$0x1] =	stream.indirect.gather [hbm4b:s3+s14], $0x20, s13, s14, $0xb8;
	[tilespmem:$0x16A00] =	vst v63  }
0x25: {  	s6 =	simm.s32 $0x100  }
0x26: {  	[tilespmem:s17], [sflag:$0x1] =	stream.indirect.gather [hbm4b:s3+s14], $0x20, s6, s14, $0xb8;
	[tilespmem:$0x16A00] =	vst v63  }
0x27: {  	s9 =	simm.s32 $0x180  }
0x28: {  	[tilespmem:s18], [sflag:$0x1] =	stream.indirect.gather [hbm4b:s3+s14], $0x20, s9, s14, $0xb8;
	[tilespmem:$0x16A00] =	vst v63  }
0x29: {  	s10 =	simm.s32 $0x200  }
0x2a: {  	[tilespmem:s19], [sflag:$0x1] =	stream.indirect.gather [hbm4b:s3+s14], $0x20, s10, s14, $0xb8;
	[tilespmem:$0x16A00] =	vst v63  }
0x2b: {  	s11 =	simm.s32 $0x280  }
0x2c: {  	[tilespmem:s20], [sflag:$0x1] =	stream.indirect.gather [hbm4b:s3+s14], $0x20, s11, s14, $0xb8;
	[tilespmem:$0x16A00] =	vst v63  }
0x2d: {  	s13 =	simm.s32 $0x300  }
0x2e: {  	[tilespmem:s21], [sflag:$0x1] =	stream.indirect.gather [hbm4b:s3+s14], $0x20, s13, s14, $0xb8;
	[tilespmem:$0x16A00] =	vst v63  }
0x2f: {  	s6 =	simm.s32 $0x380  }
0x30: {  	[tilespmem:s22], [sflag:$0x1] =	stream.indirect.gather [hbm4b:s3+s14], $0x20, s6, s14, $0xb8;
	[tilespmem:$0x16A00] =	vst v63  }
0x31: {  	s9 =	simm.s32 $0x400  }
0x32: {  	[tilespmem:s23], [sflag:$0x1] =	stream.indirect.gather [hbm4b:s3+s14], $0x20, s9, s14, $0xb8;
	[tilespmem:$0x16A00] =	vst v63  }
0x33: {  	s10 =	simm.s32 $0x480  }
0x34: {  	[tilespmem:s24], [sflag:$0x1] =	stream.indirect.gather [hbm4b:s3+s14], $0x20, s10, s14, $0xb8;
	[tilespmem:$0x16A00] =	vst v63  }
0x35: {  	s11 =	simm.s32 $0x500  }
0x36: {  	[tilespmem:s25], [sflag:$0x1] =	stream.indirect.gather [hbm4b:s3+s14], $0x20, s11, s14, $0xb8;
	[tilespmem:$0x16A00] =	vst v63  }
0x37: {  	s13 =	simm.s32 $0x580  }
0x38: {  	[tilespmem:s26], [sflag:$0x1] =	stream.indirect.gather [hbm4b:s3+s14], $0x20, s13, s14, $0xb8;
	[tilespmem:$0x16A00] =	vst v63  }
0x39: {  	s6 =	simm.s32 $0x600  }
0x3a: {  	[tilespmem:s28], [sflag:$0x1] =	stream.indirect.gather [hbm4b:s3+s14], $0x20, s6, s14, $0xb8;
	[tilespmem:$0x16A00] =	vst v63  }
0x3b: {  	s9 =	simm.s32 $0x680  }
0x3c: {  	[tilespmem:s29], [sflag:$0x1] =	stream.indirect.gather [hbm4b:s3+s14], $0x20, s9, s14, $0xb8;
	[tilespmem:$0x16A00] =	vst v63  }
0x3d: {  	s10 =	simm.s32 $0x700  }
0x3e: {  	[tilespmem:s30], [sflag:$0x1] =	stream.indirect.gather [hbm4b:s3+s14], $0x20, s10, s14, $0xb8;
	[tilespmem:$0x16A00] =	vst v63  }
0x3f: {  	s11 =	simm.s32 $0x780  }
0x40: {  	[tilespmem:s31], [sflag:$0x1] =	stream.indirect.gather [hbm4b:s3+s14], $0x20, s11, s14, $0xb8;
	[tilespmem:$0x16A00] =	vst v63  }
0x41: {  	_ =	swait.ge [sflag:s0], $0x1000  }
0x42: {  	[sflag:s0] =	ssyncset.done $0x0  }
0x43: {  	[sflag:s0] =	ssyncadd.s32 $0xFFFFF000  }
0x44: {  	_ =	swait.ge [sflag:s0], $0x1000  }
0x45: {  	[sflag:s0] =	ssyncset.done $0x0  }
0x46: {  	[sflag:s0] =	ssyncadd.s32 $0xFFFFF000  }
0x47: {  	_ =	swait.ge [sflag:s0], $0x1000  }
0x48: {  	[sflag:s0] =	ssyncset.done $0x0  }
0x49: {  	[sflag:s0] =	ssyncadd.s32 $0xFFFFF000  }
0x4a: {  	_ =	swait.ge [sflag:s0], $0x1000  }
0x4b: {  	[sflag:s0] =	ssyncset.done $0x0  }
0x4c: {  	[sflag:s0] =	ssyncadd.s32 $0xFFFFF000  }
0x4d: {  	_ =	swait.ge [sflag:s0], $0x1000  }
0x4e: {  	[sflag:s0] =	ssyncset.done $0x0  }
0x4f: {  	[sflag:s0] =	ssyncadd.s32 $0xFFFFF000  }
0x50: {  	_ =	swait.ge [sflag:s0], $0x1000  }
0x51: {  	[sflag:s0] =	ssyncset.done $0x0  }
0x52: {  	[sflag:s0] =	ssyncadd.s32 $0xFFFFF000  }
0x53: {  	_ =	swait.ge [sflag:s0], $0x1000  }
0x54: {  	[sflag:s0] =	ssyncset.done $0x0  }
0x55: {  	[sflag:s0] =	ssyncadd.s32 $0xFFFFF000  }
0x56: {  	_ =	swait.ge [sflag:s0], $0x1000  }
0x57: {  	[sflag:s0] =	ssyncset.done $0x0  }
0x58: {  	[sflag:s0] =	ssyncadd.s32 $0xFFFFF000  }
0x59: {  	_ =	swait.ge [sflag:s0], $0x1000  }
0x5a: {  	[sflag:s0] =	ssyncset.done $0x0  }
0x5b: {  	[sflag:s0] =	ssyncadd.s32 $0xFFFFF000  }
0x5c: {  	_ =	swait.ge [sflag:s0], $0x1000  }
0x5d: {  	[sflag:s0] =	ssyncset.done $0x0  }
0x5e: {  	[sflag:s0] =	ssyncadd.s32 $0xFFFFF000  }
0x5f: {  	_ =	swait.ge [sflag:s0], $0x1000  }
0x60: {  	[sflag:s0] =	ssyncset.done $0x0  }
0x61: {  	[sflag:s0] =	ssyncadd.s32 $0xFFFFF000  }
0x62: {  	_ =	swait.ge [sflag:s0], $0x1000  }
0x63: {  	[sflag:s0] =	ssyncset.done $0x0  }
0x64: {  	[sflag:s0] =	ssyncadd.s32 $0xFFFFF000  }
0x65: {  	_ =	swait.ge [sflag:s0], $0x1000  }
0x66: {  	[sflag:s0] =	ssyncset.done $0x0  }
0x67: {  	[sflag:s0] =	ssyncadd.s32 $0xFFFFF000  }
0x68: {  	_ =	swait.ge [sflag:s0], $0x1000  }
0x69: {  	[sflag:s0] =	ssyncset.done $0x0  }
0x6a: {  	[sflag:s0] =	ssyncadd.s32 $0xFFFFF000  }
0x6b: {  	_ =	swait.ge [sflag:s0], $0x1000  }
0x6c: {  	[sflag:s0] =	ssyncset.done $0x0  }
0x6d: {  	[sflag:s0] =	ssyncadd.s32 $0xFFFFF000  }
0x6e: {  	_ =	swait.ge [sflag:s0], $0x1000  }
0x6f: {  	s13 =	rddreg [dreg:$0x4];
	[sflag:s0] =	ssyncset.done $0x0  }
0x70: {  	[sflag:s0] =	ssyncadd.s32 $0xFFFFF000;
	s7 =	sadd.s32 $0x0, s13  }
0x71: {  	[hbm4b:s7+s2] =	stream.linear.scatter [tilespmem:s15], [sflag:$0x2], $0x10000, $0x38;
	[tilespmem:$0x16A00] =	vst v63  }
0x72: {  	_ =	swait.ge [sflag:s12], $0x10000  }
0x73: {  	s10 =	simm.s32 $0x2000;
	s13 =	simm.s32 $0x4000;
	[sflag:s12] =	ssyncset.done $0x0  }
.LBB2_2:
0x74: {  	s9 =	sshra.s32 s10, $0x2;
	[sflag:s12] =	ssyncadd.s32 $0xFFFF0000  }
0x75: {  	[tilespmem:s15], [sflag:$0x1] =	stream.indirect.gather [hbm4b:s3+s14], $0x20, s9, s14, $0xb8;
	[tilespmem:$0x16A00] =	vst v63  }
0x76: {  	s6 =	sadd.s32 $0x80, s9  }
0x77: {  	[tilespmem:s16], [sflag:$0x1] =	stream.indirect.gather [hbm4b:s3+s14], $0x20, s6, s14, $0xb8;
	[tilespmem:$0x16A00] =	vst v63  }
0x78: {  	s6 =	sadd.s32 $0x100, s9  }
0x79: {  	[tilespmem:s17], [sflag:$0x1] =	stream.indirect.gather [hbm4b:s3+s14], $0x20, s6, s14, $0xb8;
	[tilespmem:$0x16A00] =	vst v63  }
0x7a: {  	s6 =	sadd.s32 $0x180, s9  }
0x7b: {  	[tilespmem:s18], [sflag:$0x1] =	stream.indirect.gather [hbm4b:s3+s14], $0x20, s6, s14, $0xb8;
	[tilespmem:$0x16A00] =	vst v63  }
0x7c: {  	s6 =	sadd.s32 $0x200, s9  }
0x7d: {  	[tilespmem:s19], [sflag:$0x1] =	stream.indirect.gather [hbm4b:s3+s14], $0x20, s6, s14, $0xb8;
	[tilespmem:$0x16A00] =	vst v63  }
0x7e: {  	s6 =	sadd.s32 $0x280, s9  }
0x7f: {  	[tilespmem:s20], [sflag:$0x1] =	stream.indirect.gather [hbm4b:s3+s14], $0x20, s6, s14, $0xb8;
	[tilespmem:$0x16A00] =	vst v63  }
0x80: {  	s6 =	sadd.s32 $0x300, s9  }
0x81: {  	[tilespmem:s21], [sflag:$0x1] =	stream.indirect.gather [hbm4b:s3+s14], $0x20, s6, s14, $0xb8;
	[tilespmem:$0x16A00] =	vst v63  }
0x82: {  	s6 =	sadd.s32 $0x380, s9  }
0x83: {  	[tilespmem:s22], [sflag:$0x1] =	stream.indirect.gather [hbm4b:s3+s14], $0x20, s6, s14, $0xb8;
	[tilespmem:$0x16A00] =	vst v63  }
0x84: {  	s6 =	sadd.s32 $0x400, s9  }
0x85: {  	[tilespmem:s23], [sflag:$0x1] =	stream.indirect.gather [hbm4b:s3+s14], $0x20, s6, s14, $0xb8;
	[tilespmem:$0x16A00] =	vst v63  }
0x86: {  	s6 =	sadd.s32 $0x480, s9  }
0x87: {  	[tilespmem:s24], [sflag:$0x1] =	stream.indirect.gather [hbm4b:s3+s14], $0x20, s6, s14, $0xb8;
	[tilespmem:$0x16A00] =	vst v63  }
0x88: {  	s6 =	sadd.s32 $0x500, s9  }
0x89: {  	[tilespmem:s25], [sflag:$0x1] =	stream.indirect.gather [hbm4b:s3+s14], $0x20, s6, s14, $0xb8;
	[tilespmem:$0x16A00] =	vst v63  }
0x8a: {  	s6 =	sadd.s32 $0x580, s9  }
0x8b: {  	[tilespmem:s26], [sflag:$0x1] =	stream.indirect.gather [hbm4b:s3+s14], $0x20, s6, s14, $0xb8;
	[tilespmem:$0x16A00] =	vst v63  }
0x8c: {  	s6 =	sadd.s32 $0x600, s9  }
0x8d: {  	[tilespmem:s28], [sflag:$0x1] =	stream.indirect.gather [hbm4b:s3+s14], $0x20, s6, s14, $0xb8;
	[tilespmem:$0x16A00] =	vst v63  }
0x8e: {  	s6 =	sadd.s32 $0x680, s9  }
0x8f: {  	[tilespmem:s29], [sflag:$0x1] =	stream.indirect.gather [hbm4b:s3+s14], $0x20, s6, s14, $0xb8;
	[tilespmem:$0x16A00] =	vst v63  }
0x90: {  	s6 =	sadd.s32 $0x700, s9  }
0x91: {  	[tilespmem:s30], [sflag:$0x1] =	stream.indirect.gather [hbm4b:s3+s14], $0x20, s6, s14, $0xb8;
	[tilespmem:$0x16A00] =	vst v63  }
0x92: {  	s9 =	sadd.s32 $0x780, s9  }
0x93: {  	[tilespmem:s31], [sflag:$0x1] =	stream.indirect.gather [hbm4b:s3+s14], $0x20, s9, s14, $0xb8;
	[tilespmem:$0x16A00] =	vst v63  }
0x94: {  	_ =	swait.ge [sflag:s0], $0x1000  }
0x95: {  	[sflag:s0] =	ssyncset.done $0x0  }
0x96: {  	[sflag:s0] =	ssyncadd.s32 $0xFFFFF000  }
0x97: {  	_ =	swait.ge [sflag:s0], $0x1000  }
0x98: {  	[sflag:s0] =	ssyncset.done $0x0  }
0x99: {  	[sflag:s0] =	ssyncadd.s32 $0xFFFFF000  }
0x9a: {  	_ =	swait.ge [sflag:s0], $0x1000  }
0x9b: {  	[sflag:s0] =	ssyncset.done $0x0  }
0x9c: {  	[sflag:s0] =	ssyncadd.s32 $0xFFFFF000  }
0x9d: {  	_ =	swait.ge [sflag:s0], $0x1000  }
0x9e: {  	[sflag:s0] =	ssyncset.done $0x0  }
0x9f: {  	[sflag:s0] =	ssyncadd.s32 $0xFFFFF000  }
0xa0: {  	_ =	swait.ge [sflag:s0], $0x1000  }
0xa1: {  	[sflag:s0] =	ssyncset.done $0x0  }
0xa2: {  	[sflag:s0] =	ssyncadd.s32 $0xFFFFF000  }
0xa3: {  	_ =	swait.ge [sflag:s0], $0x1000  }
0xa4: {  	[sflag:s0] =	ssyncset.done $0x0  }
0xa5: {  	[sflag:s0] =	ssyncadd.s32 $0xFFFFF000  }
0xa6: {  	_ =	swait.ge [sflag:s0], $0x1000  }
0xa7: {  	[sflag:s0] =	ssyncset.done $0x0  }
0xa8: {  	[sflag:s0] =	ssyncadd.s32 $0xFFFFF000  }
0xa9: {  	_ =	swait.ge [sflag:s0], $0x1000  }
0xaa: {  	[sflag:s0] =	ssyncset.done $0x0  }
0xab: {  	[sflag:s0] =	ssyncadd.s32 $0xFFFFF000  }
0xac: {  	_ =	swait.ge [sflag:s0], $0x1000  }
0xad: {  	[sflag:s0] =	ssyncset.done $0x0  }
0xae: {  	[sflag:s0] =	ssyncadd.s32 $0xFFFFF000  }
0xaf: {  	_ =	swait.ge [sflag:s0], $0x1000  }
0xb0: {  	[sflag:s0] =	ssyncset.done $0x0  }
0xb1: {  	[sflag:s0] =	ssyncadd.s32 $0xFFFFF000  }
0xb2: {  	_ =	swait.ge [sflag:s0], $0x1000  }
0xb3: {  	[sflag:s0] =	ssyncset.done $0x0  }
0xb4: {  	[sflag:s0] =	ssyncadd.s32 $0xFFFFF000  }
0xb5: {  	_ =	swait.ge [sflag:s0], $0x1000  }
0xb6: {  	[sflag:s0] =	ssyncset.done $0x0  }
0xb7: {  	[sflag:s0] =	ssyncadd.s32 $0xFFFFF000  }
0xb8: {  	_ =	swait.ge [sflag:s0], $0x1000  }
0xb9: {  	[sflag:s0] =	ssyncset.done $0x0  }
0xba: {  	[sflag:s0] =	ssyncadd.s32 $0xFFFFF000  }
0xbb: {  	_ =	swait.ge [sflag:s0], $0x1000  }
0xbc: {  	[sflag:s0] =	ssyncset.done $0x0  }
0xbd: {  	[sflag:s0] =	ssyncadd.s32 $0xFFFFF000  }
0xbe: {  	_ =	swait.ge [sflag:s0], $0x1000  }
0xbf: {  	[sflag:s0] =	ssyncset.done $0x0  }
0xc0: {  	s7 =	smov.u32 s13;
	[sflag:s0] =	ssyncadd.s32 $0xFFFFF000  }
0xc1: {  	s11 =	sadd.s32 $0x2000, s13;
	p0 =	sne.s32 s13, $0x8000;
	_ =	swait.ge [sflag:s0], $0x1000  }
.Ltmp0:
0xc2: {  	s6 =	rddreg [dreg:$0x4];
	[sflag:s0] =	ssyncset.done $0x0;
	(pc) =	sbr.rel @p0 .LBB2_2-.Ltmp0, $4  }
0xc3: {  	s9 =	simm.s32 $0x0;
	[sflag:s0] =	ssyncadd.s32 $0xFFFFF000;
	s13 =	sadd.s32 s10, s6  }
0xc4: {  	[hbm4b:s13+s9] =	stream.linear.scatter [tilespmem:s15], [sflag:$0x2], $0x10000, $0x38;
	[tilespmem:$0x16A00] =	vst v63  }
0xc5: {  	_ =	swait.ge [sflag:s12], $0x10000  }
0xc6: {  	s10 =	smov.u32 s7;
	s13 =	smov.u32 s11;
	[sflag:s12] =	ssyncset.done $0x0  }
0xc7: {  	s7 =	sshra.s32 s10, $0x2;
	[sflag:s12] =	ssyncadd.s32 $0xFFFF0000  }
0xc8: {  	[tilespmem:s15], [sflag:$0x1] =	stream.indirect.gather [hbm4b:s3+s14], $0x20, s7, s14, $0xb8;
	[tilespmem:$0x16A00] =	vst v63  }
0xc9: {  	s11 =	sadd.s32 $0x80, s7  }
0xca: {  	[tilespmem:s16], [sflag:$0x1] =	stream.indirect.gather [hbm4b:s3+s14], $0x20, s11, s14, $0xb8;
	[tilespmem:$0x16A00] =	vst v63  }
0xcb: {  	s6 =	sadd.s32 $0x100, s7  }
0xcc: {  	[tilespmem:s17], [sflag:$0x1] =	stream.indirect.gather [hbm4b:s3+s14], $0x20, s6, s14, $0xb8;
	[tilespmem:$0x16A00] =	vst v63  }
0xcd: {  	s13 =	sadd.s32 $0x180, s7  }
0xce: {  	[tilespmem:s18], [sflag:$0x1] =	stream.indirect.gather [hbm4b:s3+s14], $0x20, s13, s14, $0xb8;
	[tilespmem:$0x16A00] =	vst v63  }
0xcf: {  	s6 =	sadd.s32 $0x200, s7  }
0xd0: {  	[tilespmem:s19], [sflag:$0x1] =	stream.indirect.gather [hbm4b:s3+s14], $0x20, s6, s14, $0xb8;
	[tilespmem:$0x16A00] =	vst v63  }
0xd1: {  	s13 =	sadd.s32 $0x280, s7  }
0xd2: {  	[tilespmem:s20], [sflag:$0x1] =	stream.indirect.gather [hbm4b:s3+s14], $0x20, s13, s14, $0xb8;
	[tilespmem:$0x16A00] =	vst v63  }
0xd3: {  	s6 =	sadd.s32 $0x300, s7  }
0xd4: {  	[tilespmem:s21], [sflag:$0x1] =	stream.indirect.gather [hbm4b:s3+s14], $0x20, s6, s14, $0xb8;
	[tilespmem:$0x16A00] =	vst v63  }
0xd5: {  	s13 =	sadd.s32 $0x380, s7  }
0xd6: {  	[tilespmem:s22], [sflag:$0x1] =	stream.indirect.gather [hbm4b:s3+s14], $0x20, s13, s14, $0xb8;
	[tilespmem:$0x16A00] =	vst v63  }
0xd7: {  	s6 =	sadd.s32 $0x400, s7  }
0xd8: {  	[tilespmem:s23], [sflag:$0x1] =	stream.indirect.gather [hbm4b:s3+s14], $0x20, s6, s14, $0xb8;
	[tilespmem:$0x16A00] =	vst v63  }
0xd9: {  	s13 =	sadd.s32 $0x480, s7  }
0xda: {  	[tilespmem:s24], [sflag:$0x1] =	stream.indirect.gather [hbm4b:s3+s14], $0x20, s13, s14, $0xb8;
	[tilespmem:$0x16A00] =	vst v63  }
0xdb: {  	s6 =	sadd.s32 $0x500, s7  }
0xdc: {  	[tilespmem:s25], [sflag:$0x1] =	stream.indirect.gather [hbm4b:s3+s14], $0x20, s6, s14, $0xb8;
	[tilespmem:$0x16A00] =	vst v63  }
0xdd: {  	s13 =	sadd.s32 $0x580, s7  }
0xde: {  	[tilespmem:s26], [sflag:$0x1] =	stream.indirect.gather [hbm4b:s3+s14], $0x20, s13, s14, $0xb8;
	[tilespmem:$0x16A00] =	vst v63  }
0xdf: {  	s6 =	sadd.s32 $0x600, s7  }
0xe0: {  	[tilespmem:s28], [sflag:$0x1] =	stream.indirect.gather [hbm4b:s3+s14], $0x20, s6, s14, $0xb8;
	[tilespmem:$0x16A00] =	vst v63  }
0xe1: {  	s13 =	sadd.s32 $0x680, s7  }
0xe2: {  	[tilespmem:s29], [sflag:$0x1] =	stream.indirect.gather [hbm4b:s3+s14], $0x20, s13, s14, $0xb8;
	[tilespmem:$0x16A00] =	vst v63  }
0xe3: {  	s6 =	sadd.s32 $0x700, s7  }
0xe4: {  	[tilespmem:s30], [sflag:$0x1] =	stream.indirect.gather [hbm4b:s3+s14], $0x20, s6, s14, $0xb8;
	[tilespmem:$0x16A00] =	vst v63  }
0xe5: {  	s7 =	sadd.s32 $0x780, s7  }
0xe6: {  	[tilespmem:s31], [sflag:$0x1] =	stream.indirect.gather [hbm4b:s3+s14], $0x20, s7, s14, $0xb8;
	[tilespmem:$0x16A00] =	vst v63  }
0xe7: {  	_ =	swait.ge [sflag:s0], $0x1000  }
0xe8: {  	[sflag:s0] =	ssyncset.done $0x0  }
0xe9: {  	[sflag:s0] =	ssyncadd.s32 $0xFFFFF000  }
0xea: {  	_ =	swait.ge [sflag:s0], $0x1000  }
0xeb: {  	[sflag:s0] =	ssyncset.done $0x0  }
0xec: {  	[sflag:s0] =	ssyncadd.s32 $0xFFFFF000  }
0xed: {  	_ =	swait.ge [sflag:s0], $0x1000  }
0xee: {  	[sflag:s0] =	ssyncset.done $0x0  }
0xef: {  	[sflag:s0] =	ssyncadd.s32 $0xFFFFF000  }
0xf0: {  	_ =	swait.ge [sflag:s0], $0x1000  }
0xf1: {  	[sflag:s0] =	ssyncset.done $0x0  }
0xf2: {  	[sflag:s0] =	ssyncadd.s32 $0xFFFFF000  }
0xf3: {  	_ =	swait.ge [sflag:s0], $0x1000  }
0xf4: {  	[sflag:s0] =	ssyncset.done $0x0  }
0xf5: {  	[sflag:s0] =	ssyncadd.s32 $0xFFFFF000  }
0xf6: {  	_ =	swait.ge [sflag:s0], $0x1000  }
0xf7: {  	[sflag:s0] =	ssyncset.done $0x0  }
0xf8: {  	[sflag:s0] =	ssyncadd.s32 $0xFFFFF000  }
0xf9: {  	_ =	swait.ge [sflag:s0], $0x1000  }
0xfa: {  	[sflag:s0] =	ssyncset.done $0x0  }
0xfb: {  	[sflag:s0] =	ssyncadd.s32 $0xFFFFF000  }
0xfc: {  	_ =	swait.ge [sflag:s0], $0x1000  }
0xfd: {  	[sflag:s0] =	ssyncset.done $0x0  }
0xfe: {  	[sflag:s0] =	ssyncadd.s32 $0xFFFFF000  }
0xff: {  	_ =	swait.ge [sflag:s0], $0x1000  }
0x100: {  	[sflag:s0] =	ssyncset.done $0x0  }
0x101: {  	[sflag:s0] =	ssyncadd.s32 $0xFFFFF000  }
0x102: {  	_ =	swait.ge [sflag:s0], $0x1000  }
0x103: {  	[sflag:s0] =	ssyncset.done $0x0  }
0x104: {  	[sflag:s0] =	ssyncadd.s32 $0xFFFFF000  }
0x105: {  	_ =	swait.ge [sflag:s0], $0x1000  }
0x106: {  	[sflag:s0] =	ssyncset.done $0x0  }
0x107: {  	[sflag:s0] =	ssyncadd.s32 $0xFFFFF000  }
0x108: {  	_ =	swait.ge [sflag:s0], $0x1000  }
0x109: {  	[sflag:s0] =	ssyncset.done $0x0  }
0x10a: {  	[sflag:s0] =	ssyncadd.s32 $0xFFFFF000  }
0x10b: {  	_ =	swait.ge [sflag:s0], $0x1000  }
0x10c: {  	[sflag:s0] =	ssyncset.done $0x0  }
0x10d: {  	[sflag:s0] =	ssyncadd.s32 $0xFFFFF000  }
0x10e: {  	_ =	swait.ge [sflag:s0], $0x1000  }
0x10f: {  	[sflag:s0] =	ssyncset.done $0x0  }
0x110: {  	[sflag:s0] =	ssyncadd.s32 $0xFFFFF000  }
0x111: {  	_ =	swait.ge [sflag:s0], $0x1000  }
0x112: {  	[sflag:s0] =	ssyncset.done $0x0  }
0x113: {  	[sflag:s0] =	ssyncadd.s32 $0xFFFFF000  }
0x114: {  	_ =	swait.ge [sflag:s0], $0x1000  }
0x115: {  	p1 =	por $0x1, $0x1;
	s13 =	rddreg [dreg:$0x4];
	[sflag:s0] =	ssyncset.done $0x0  }
.Ltmp1:
0x116: {  	[sflag:s0] =	ssyncadd.s32 $0xFFFFF000;
	s7 =	sadd.s32 s10, s13;
	(pc) =	sbr.rel @!p1 .LBB2_8-.Ltmp1, $4  }
0x117: {  	[hbm4b:s7+s9] =	stream.linear.scatter [tilespmem:s15], [sflag:$0x2], $0x10000, $0x38;
	[tilespmem:$0x16A00] =	vst v63  }
0x118: {  	_ =	swait.ge [sflag:s12], $0x10000  }
0x119: {  	[sflag:s12] =	ssyncset.done $0x0  }
0x11a: {  	p0 =	por $0x0, $0x0;
	s10 =	simm.s32 $0x2000;
	[sflag:s12] =	ssyncadd.s32 $0xFFFF0000  }
0x11b: {  	s7 =	simm.s32 $0x0  }
0x11c: {  	[tilespmem:s15], [sflag:$0x1] =	stream.indirect.gather [hbm4b:s4+s14], $0x20, s7, s14, $0xb8;
	[tilespmem:$0x16A00] =	vst v63  }
0x11d: {  	s6 =	simm.s32 $0x80  }
0x11e: {  	[tilespmem:s16], [sflag:$0x1] =	stream.indirect.gather [hbm4b:s4+s14], $0x20, s6, s14, $0xb8;
	[tilespmem:$0x16A00] =	vst v63  }
0x11f: {  	s9 =	simm.s32 $0x100  }
0x120: {  	[tilespmem:s17], [sflag:$0x1] =	stream.indirect.gather [hbm4b:s4+s14], $0x20, s9, s14, $0xb8;
	[tilespmem:$0x16A00] =	vst v63  }
0x121: {  	s11 =	simm.s32 $0x180  }
0x122: {  	[tilespmem:s18], [sflag:$0x1] =	stream.indirect.gather [hbm4b:s4+s14], $0x20, s11, s14, $0xb8;
	[tilespmem:$0x16A00] =	vst v63  }
0x123: {  	s13 =	simm.s32 $0x200  }
0x124: {  	[tilespmem:s19], [sflag:$0x1] =	stream.indirect.gather [hbm4b:s4+s14], $0x20, s13, s14, $0xb8;
	[tilespmem:$0x16A00] =	vst v63  }
0x125: {  	s6 =	simm.s32 $0x280  }
0x126: {  	[tilespmem:s20], [sflag:$0x1] =	stream.indirect.gather [hbm4b:s4+s14], $0x20, s6, s14, $0xb8;
	[tilespmem:$0x16A00] =	vst v63  }
0x127: {  	s9 =	simm.s32 $0x300  }
0x128: {  	[tilespmem:s21], [sflag:$0x1] =	stream.indirect.gather [hbm4b:s4+s14], $0x20, s9, s14, $0xb8;
	[tilespmem:$0x16A00] =	vst v63  }
0x129: {  	s11 =	simm.s32 $0x380  }
0x12a: {  	[tilespmem:s22], [sflag:$0x1] =	stream.indirect.gather [hbm4b:s4+s14], $0x20, s11, s14, $0xb8;
	[tilespmem:$0x16A00] =	vst v63  }
0x12b: {  	s13 =	simm.s32 $0x400  }
0x12c: {  	[tilespmem:s23], [sflag:$0x1] =	stream.indirect.gather [hbm4b:s4+s14], $0x20, s13, s14, $0xb8;
	[tilespmem:$0x16A00] =	vst v63  }
0x12d: {  	s6 =	simm.s32 $0x480  }
0x12e: {  	[tilespmem:s24], [sflag:$0x1] =	stream.indirect.gather [hbm4b:s4+s14], $0x20, s6, s14, $0xb8;
	[tilespmem:$0x16A00] =	vst v63  }
0x12f: {  	s9 =	simm.s32 $0x500  }
0x130: {  	[tilespmem:s25], [sflag:$0x1] =	stream.indirect.gather [hbm4b:s4+s14], $0x20, s9, s14, $0xb8;
	[tilespmem:$0x16A00] =	vst v63  }
0x131: {  	s11 =	simm.s32 $0x580  }
0x132: {  	[tilespmem:s26], [sflag:$0x1] =	stream.indirect.gather [hbm4b:s4+s14], $0x20, s11, s14, $0xb8;
	[tilespmem:$0x16A00] =	vst v63  }
0x133: {  	s13 =	simm.s32 $0x600  }
0x134: {  	[tilespmem:s28], [sflag:$0x1] =	stream.indirect.gather [hbm4b:s4+s14], $0x20, s13, s14, $0xb8;
	[tilespmem:$0x16A00] =	vst v63  }
0x135: {  	s6 =	simm.s32 $0x680  }
0x136: {  	[tilespmem:s29], [sflag:$0x1] =	stream.indirect.gather [hbm4b:s4+s14], $0x20, s6, s14, $0xb8;
	[tilespmem:$0x16A00] =	vst v63  }
0x137: {  	s9 =	simm.s32 $0x700  }
0x138: {  	[tilespmem:s30], [sflag:$0x1] =	stream.indirect.gather [hbm4b:s4+s14], $0x20, s9, s14, $0xb8;
	[tilespmem:$0x16A00] =	vst v63  }
0x139: {  	s11 =	simm.s32 $0x780  }
0x13a: {  	[tilespmem:s31], [sflag:$0x1] =	stream.indirect.gather [hbm4b:s4+s14], $0x20, s11, s14, $0xb8;
	[tilespmem:$0x16A00] =	vst v63  }
0x13b: {  	_ =	swait.ge [sflag:s0], $0x1000  }
0x13c: {  	[sflag:s0] =	ssyncset.done $0x0  }
0x13d: {  	[sflag:s0] =	ssyncadd.s32 $0xFFFFF000  }
0x13e: {  	_ =	swait.ge [sflag:s0], $0x1000  }
0x13f: {  	[sflag:s0] =	ssyncset.done $0x0  }
0x140: {  	[sflag:s0] =	ssyncadd.s32 $0xFFFFF000  }
0x141: {  	_ =	swait.ge [sflag:s0], $0x1000  }
0x142: {  	[sflag:s0] =	ssyncset.done $0x0  }
0x143: {  	[sflag:s0] =	ssyncadd.s32 $0xFFFFF000  }
0x144: {  	_ =	swait.ge [sflag:s0], $0x1000  }
0x145: {  	[sflag:s0] =	ssyncset.done $0x0  }
0x146: {  	[sflag:s0] =	ssyncadd.s32 $0xFFFFF000  }
0x147: {  	_ =	swait.ge [sflag:s0], $0x1000  }
0x148: {  	[sflag:s0] =	ssyncset.done $0x0  }
0x149: {  	[sflag:s0] =	ssyncadd.s32 $0xFFFFF000  }
0x14a: {  	_ =	swait.ge [sflag:s0], $0x1000  }
0x14b: {  	[sflag:s0] =	ssyncset.done $0x0  }
0x14c: {  	[sflag:s0] =	ssyncadd.s32 $0xFFFFF000  }
0x14d: {  	_ =	swait.ge [sflag:s0], $0x1000  }
0x14e: {  	[sflag:s0] =	ssyncset.done $0x0  }
0x14f: {  	[sflag:s0] =	ssyncadd.s32 $0xFFFFF000  }
0x150: {  	_ =	swait.ge [sflag:s0], $0x1000  }
0x151: {  	[sflag:s0] =	ssyncset.done $0x0  }
0x152: {  	[sflag:s0] =	ssyncadd.s32 $0xFFFFF000  }
0x153: {  	_ =	swait.ge [sflag:s0], $0x1000  }
0x154: {  	[sflag:s0] =	ssyncset.done $0x0  }
0x155: {  	[sflag:s0] =	ssyncadd.s32 $0xFFFFF000  }
0x156: {  	_ =	swait.ge [sflag:s0], $0x1000  }
0x157: {  	[sflag:s0] =	ssyncset.done $0x0  }
0x158: {  	[sflag:s0] =	ssyncadd.s32 $0xFFFFF000  }
0x159: {  	_ =	swait.ge [sflag:s0], $0x1000  }
0x15a: {  	[sflag:s0] =	ssyncset.done $0x0  }
0x15b: {  	[sflag:s0] =	ssyncadd.s32 $0xFFFFF000  }
0x15c: {  	_ =	swait.ge [sflag:s0], $0x1000  }
0x15d: {  	[sflag:s0] =	ssyncset.done $0x0  }
0x15e: {  	[sflag:s0] =	ssyncadd.s32 $0xFFFFF000  }
0x15f: {  	_ =	swait.ge [sflag:s0], $0x1000  }
0x160: {  	[sflag:s0] =	ssyncset.done $0x0  }
0x161: {  	[sflag:s0] =	ssyncadd.s32 $0xFFFFF000  }
0x162: {  	_ =	swait.ge [sflag:s0], $0x1000  }
0x163: {  	[sflag:s0] =	ssyncset.done $0x0  }
0x164: {  	[sflag:s0] =	ssyncadd.s32 $0xFFFFF000  }
0x165: {  	_ =	swait.ge [sflag:s0], $0x1000  }
0x166: {  	[sflag:s0] =	ssyncset.done $0x0  }
0x167: {  	[sflag:s0] =	ssyncadd.s32 $0xFFFFF000  }
0x168: {  	p1 =	por $0x1, $0x1;
	_ =	swait.ge [sflag:s0], $0x1000  }
.Ltmp2:
0x169: {  	s13 =	rddreg [dreg:$0x5];
	[sflag:s0] =	ssyncset.done $0x0;
	(pc) =	sbr.rel @!p1 .LBB2_5-.Ltmp2, $4  }
0x16a: {  	[sflag:s0] =	ssyncadd.s32 $0xFFFFF000;
	s7 =	sadd.s32 $0x0, s13  }
0x16b: {  	[hbm4b:s7+s2] =	stream.linear.scatter [tilespmem:s15], [sflag:$0x2], $0x10000, $0x38;
	[tilespmem:$0x16A00] =	vst v63  }
0x16c: {  	_ =	swait.ge [sflag:s12], $0x10000  }
0x16d: {  	p0 =	por $0x1, $0x1;
	s9 =	simm.s32 $0x4000;
	[sflag:s12] =	ssyncset.done $0x0  }
.LBB2_6:
0x16e: {  	s11 =	sshra.s32 s10, $0x2;
	[sflag:s12] =	ssyncadd.s32 $0xFFFF0000  }
0x16f: {  	[tilespmem:s15], [sflag:$0x1] =	stream.indirect.gather [hbm4b:s4+s14], $0x20, s11, s14, $0xb8;
	[tilespmem:$0x16A00] =	vst v63  }
0x170: {  	s6 =	sadd.s32 $0x80, s11  }
0x171: {  	[tilespmem:s16], [sflag:$0x1] =	stream.indirect.gather [hbm4b:s4+s14], $0x20, s6, s14, $0xb8;
	[tilespmem:$0x16A00] =	vst v63  }
0x172: {  	s6 =	sadd.s32 $0x100, s11  }
0x173: {  	[tilespmem:s17], [sflag:$0x1] =	stream.indirect.gather [hbm4b:s4+s14], $0x20, s6, s14, $0xb8;
	[tilespmem:$0x16A00] =	vst v63  }
0x174: {  	s6 =	sadd.s32 $0x180, s11  }
0x175: {  	[tilespmem:s18], [sflag:$0x1] =	stream.indirect.gather [hbm4b:s4+s14], $0x20, s6, s14, $0xb8;
	[tilespmem:$0x16A00] =	vst v63  }
0x176: {  	s6 =	sadd.s32 $0x200, s11  }
0x177: {  	[tilespmem:s19], [sflag:$0x1] =	stream.indirect.gather [hbm4b:s4+s14], $0x20, s6, s14, $0xb8;
	[tilespmem:$0x16A00] =	vst v63  }
0x178: {  	s6 =	sadd.s32 $0x280, s11  }
0x179: {  	[tilespmem:s20], [sflag:$0x1] =	stream.indirect.gather [hbm4b:s4+s14], $0x20, s6, s14, $0xb8;
	[tilespmem:$0x16A00] =	vst v63  }
0x17a: {  	s6 =	sadd.s32 $0x300, s11  }
0x17b: {  	[tilespmem:s21], [sflag:$0x1] =	stream.indirect.gather [hbm4b:s4+s14], $0x20, s6, s14, $0xb8;
	[tilespmem:$0x16A00] =	vst v63  }
0x17c: {  	s6 =	sadd.s32 $0x380, s11  }
0x17d: {  	[tilespmem:s22], [sflag:$0x1] =	stream.indirect.gather [hbm4b:s4+s14], $0x20, s6, s14, $0xb8;
	[tilespmem:$0x16A00] =	vst v63  }
0x17e: {  	s6 =	sadd.s32 $0x400, s11  }
0x17f: {  	[tilespmem:s23], [sflag:$0x1] =	stream.indirect.gather [hbm4b:s4+s14], $0x20, s6, s14, $0xb8;
	[tilespmem:$0x16A00] =	vst v63  }
0x180: {  	s6 =	sadd.s32 $0x480, s11  }
0x181: {  	[tilespmem:s24], [sflag:$0x1] =	stream.indirect.gather [hbm4b:s4+s14], $0x20, s6, s14, $0xb8;
	[tilespmem:$0x16A00] =	vst v63  }
0x182: {  	s6 =	sadd.s32 $0x500, s11  }
0x183: {  	[tilespmem:s25], [sflag:$0x1] =	stream.indirect.gather [hbm4b:s4+s14], $0x20, s6, s14, $0xb8;
	[tilespmem:$0x16A00] =	vst v63  }
0x184: {  	s6 =	sadd.s32 $0x580, s11  }
0x185: {  	[tilespmem:s26], [sflag:$0x1] =	stream.indirect.gather [hbm4b:s4+s14], $0x20, s6, s14, $0xb8;
	[tilespmem:$0x16A00] =	vst v63  }
0x186: {  	s6 =	sadd.s32 $0x600, s11  }
0x187: {  	[tilespmem:s28], [sflag:$0x1] =	stream.indirect.gather [hbm4b:s4+s14], $0x20, s6, s14, $0xb8;
	[tilespmem:$0x16A00] =	vst v63  }
0x188: {  	s6 =	sadd.s32 $0x680, s11  }
0x189: {  	[tilespmem:s29], [sflag:$0x1] =	stream.indirect.gather [hbm4b:s4+s14], $0x20, s6, s14, $0xb8;
	[tilespmem:$0x16A00] =	vst v63  }
0x18a: {  	s6 =	sadd.s32 $0x700, s11  }
0x18b: {  	[tilespmem:s30], [sflag:$0x1] =	stream.indirect.gather [hbm4b:s4+s14], $0x20, s6, s14, $0xb8;
	[tilespmem:$0x16A00] =	vst v63  }
0x18c: {  	s6 =	sadd.s32 $0x780, s11  }
0x18d: {  	[tilespmem:s31], [sflag:$0x1] =	stream.indirect.gather [hbm4b:s4+s14], $0x20, s6, s14, $0xb8;
	[tilespmem:$0x16A00] =	vst v63  }
0x18e: {  	_ =	swait.ge [sflag:s0], $0x1000  }
0x18f: {  	[sflag:s0] =	ssyncset.done $0x0  }
0x190: {  	[sflag:s0] =	ssyncadd.s32 $0xFFFFF000  }
0x191: {  	_ =	swait.ge [sflag:s0], $0x1000  }
0x192: {  	[sflag:s0] =	ssyncset.done $0x0  }
0x193: {  	[sflag:s0] =	ssyncadd.s32 $0xFFFFF000  }
0x194: {  	_ =	swait.ge [sflag:s0], $0x1000  }
0x195: {  	[sflag:s0] =	ssyncset.done $0x0  }
0x196: {  	[sflag:s0] =	ssyncadd.s32 $0xFFFFF000  }
0x197: {  	_ =	swait.ge [sflag:s0], $0x1000  }
0x198: {  	[sflag:s0] =	ssyncset.done $0x0  }
0x199: {  	[sflag:s0] =	ssyncadd.s32 $0xFFFFF000  }
0x19a: {  	_ =	swait.ge [sflag:s0], $0x1000  }
0x19b: {  	[sflag:s0] =	ssyncset.done $0x0  }
0x19c: {  	[sflag:s0] =	ssyncadd.s32 $0xFFFFF000  }
0x19d: {  	_ =	swait.ge [sflag:s0], $0x1000  }
0x19e: {  	[sflag:s0] =	ssyncset.done $0x0  }
0x19f: {  	[sflag:s0] =	ssyncadd.s32 $0xFFFFF000  }
0x1a0: {  	_ =	swait.ge [sflag:s0], $0x1000  }
0x1a1: {  	[sflag:s0] =	ssyncset.done $0x0  }
0x1a2: {  	[sflag:s0] =	ssyncadd.s32 $0xFFFFF000  }
0x1a3: {  	_ =	swait.ge [sflag:s0], $0x1000  }
0x1a4: {  	[sflag:s0] =	ssyncset.done $0x0  }
0x1a5: {  	[sflag:s0] =	ssyncadd.s32 $0xFFFFF000  }
0x1a6: {  	_ =	swait.ge [sflag:s0], $0x1000  }
0x1a7: {  	[sflag:s0] =	ssyncset.done $0x0  }
0x1a8: {  	[sflag:s0] =	ssyncadd.s32 $0xFFFFF000  }
0x1a9: {  	_ =	swait.ge [sflag:s0], $0x1000  }
0x1aa: {  	[sflag:s0] =	ssyncset.done $0x0  }
0x1ab: {  	[sflag:s0] =	ssyncadd.s32 $0xFFFFF000  }
0x1ac: {  	_ =	swait.ge [sflag:s0], $0x1000  }
0x1ad: {  	[sflag:s0] =	ssyncset.done $0x0  }
0x1ae: {  	[sflag:s0] =	ssyncadd.s32 $0xFFFFF000  }
0x1af: {  	_ =	swait.ge [sflag:s0], $0x1000  }
0x1b0: {  	[sflag:s0] =	ssyncset.done $0x0  }
0x1b1: {  	[sflag:s0] =	ssyncadd.s32 $0xFFFFF000  }
0x1b2: {  	_ =	swait.ge [sflag:s0], $0x1000  }
0x1b3: {  	[sflag:s0] =	ssyncset.done $0x0  }
0x1b4: {  	[sflag:s0] =	ssyncadd.s32 $0xFFFFF000  }
0x1b5: {  	_ =	swait.ge [sflag:s0], $0x1000  }
0x1b6: {  	[sflag:s0] =	ssyncset.done $0x0  }
0x1b7: {  	[sflag:s0] =	ssyncadd.s32 $0xFFFFF000  }
0x1b8: {  	_ =	swait.ge [sflag:s0], $0x1000  }
0x1b9: {  	[sflag:s0] =	ssyncset.done $0x0  }
0x1ba: {  	[sflag:s0] =	ssyncadd.s32 $0xFFFFF000  }
0x1bb: {  	s7 =	smov.u32 s9;
	p1 =	sne.s32 s9, $0x8000;
	_ =	swait.ge [sflag:s0], $0x1000  }
.Ltmp3:
0x1bc: {  	s11 =	rddreg [dreg:$0x5];
	[sflag:s0] =	ssyncset.done $0x0;
	(pc) =	sbr.rel @p1 .LBB2_6-.Ltmp3, $4  }
0x1bd: {  	s13 =	sadd.s32 $0x2000, s9;
	[sflag:s0] =	ssyncadd.s32 $0xFFFFF000;
	s9 =	sadd.s32 s10, s11  }
0x1be: {  	[hbm4b:s9+s2] =	stream.linear.scatter [tilespmem:s15], [sflag:$0x2], $0x10000, $0x38;
	[tilespmem:$0x16A00] =	vst v63  }
0x1bf: {  	_ =	swait.ge [sflag:s12], $0x10000  }
0x1c0: {  	s10 =	smov.u32 s7;
	s9 =	smov.u32 s13;
	[sflag:s12] =	ssyncset.done $0x0  }
0x1c1: {  	s9 =	smov.u32 s10  }
.LBB2_8:
0x1c2: {  	s7 =	sshra.s32 s9, $0x2;
	[sflag:s12] =	ssyncadd.s32 @p0 $0xFFFF0000  }
0x1c3: {  	[tilespmem:s15], [sflag:$0x1] =	stream.indirect.gather [hbm4b:s4+s14], $0x20, s7, s14, $0xb8;
	[tilespmem:$0x16A00] =	vst v63  }
0x1c4: {  	s10 =	sadd.s32 $0x80, s7  }
0x1c5: {  	[tilespmem:s16], [sflag:$0x1] =	stream.indirect.gather [hbm4b:s4+s14], $0x20, s10, s14, $0xb8;
	[tilespmem:$0x16A00] =	vst v63  }
0x1c6: {  	s6 =	sadd.s32 $0x100, s7  }
0x1c7: {  	[tilespmem:s17], [sflag:$0x1] =	stream.indirect.gather [hbm4b:s4+s14], $0x20, s6, s14, $0xb8;
	[tilespmem:$0x16A00] =	vst v63  }
0x1c8: {  	s11 =	sadd.s32 $0x180, s7  }
0x1c9: {  	[tilespmem:s18], [sflag:$0x1] =	stream.indirect.gather [hbm4b:s4+s14], $0x20, s11, s14, $0xb8;
	[tilespmem:$0x16A00] =	vst v63  }
0x1ca: {  	s13 =	sadd.s32 $0x200, s7  }
0x1cb: {  	[tilespmem:s19], [sflag:$0x1] =	stream.indirect.gather [hbm4b:s4+s14], $0x20, s13, s14, $0xb8;
	[tilespmem:$0x16A00] =	vst v63  }
0x1cc: {  	s6 =	sadd.s32 $0x280, s7  }
0x1cd: {  	[tilespmem:s20], [sflag:$0x1] =	stream.indirect.gather [hbm4b:s4+s14], $0x20, s6, s14, $0xb8;
	[tilespmem:$0x16A00] =	vst v63  }
0x1ce: {  	s11 =	sadd.s32 $0x300, s7  }
0x1cf: {  	[tilespmem:s21], [sflag:$0x1] =	stream.indirect.gather [hbm4b:s4+s14], $0x20, s11, s14, $0xb8;
	[tilespmem:$0x16A00] =	vst v63  }
0x1d0: {  	s13 =	sadd.s32 $0x380, s7  }
0x1d1: {  	[tilespmem:s22], [sflag:$0x1] =	stream.indirect.gather [hbm4b:s4+s14], $0x20, s13, s14, $0xb8;
	[tilespmem:$0x16A00] =	vst v63  }
0x1d2: {  	s6 =	sadd.s32 $0x400, s7  }
0x1d3: {  	[tilespmem:s23], [sflag:$0x1] =	stream.indirect.gather [hbm4b:s4+s14], $0x20, s6, s14, $0xb8;
	[tilespmem:$0x16A00] =	vst v63  }
0x1d4: {  	s11 =	sadd.s32 $0x480, s7  }
0x1d5: {  	[tilespmem:s24], [sflag:$0x1] =	stream.indirect.gather [hbm4b:s4+s14], $0x20, s11, s14, $0xb8;
	[tilespmem:$0x16A00] =	vst v63  }
0x1d6: {  	s13 =	sadd.s32 $0x500, s7  }
0x1d7: {  	[tilespmem:s25], [sflag:$0x1] =	stream.indirect.gather [hbm4b:s4+s14], $0x20, s13, s14, $0xb8;
	[tilespmem:$0x16A00] =	vst v63  }
0x1d8: {  	s6 =	sadd.s32 $0x580, s7  }
0x1d9: {  	[tilespmem:s26], [sflag:$0x1] =	stream.indirect.gather [hbm4b:s4+s14], $0x20, s6, s14, $0xb8;
	[tilespmem:$0x16A00] =	vst v63  }
0x1da: {  	s11 =	sadd.s32 $0x600, s7  }
0x1db: {  	[tilespmem:s28], [sflag:$0x1] =	stream.indirect.gather [hbm4b:s4+s14], $0x20, s11, s14, $0xb8;
	[tilespmem:$0x16A00] =	vst v63  }
0x1dc: {  	s13 =	sadd.s32 $0x680, s7  }
0x1dd: {  	[tilespmem:s29], [sflag:$0x1] =	stream.indirect.gather [hbm4b:s4+s14], $0x20, s13, s14, $0xb8;
	[tilespmem:$0x16A00] =	vst v63  }
0x1de: {  	s6 =	sadd.s32 $0x700, s7  }
0x1df: {  	[tilespmem:s30], [sflag:$0x1] =	stream.indirect.gather [hbm4b:s4+s14], $0x20, s6, s14, $0xb8;
	[tilespmem:$0x16A00] =	vst v63  }
0x1e0: {  	s7 =	sadd.s32 $0x780, s7  }
0x1e1: {  	[tilespmem:s31], [sflag:$0x1] =	stream.indirect.gather [hbm4b:s4+s14], $0x20, s7, s14, $0xb8;
	[tilespmem:$0x16A00] =	vst v63  }
0x1e2: {  	_ =	swait.ge [sflag:s0], $0x1000  }
0x1e3: {  	[sflag:s0] =	ssyncset.done $0x0  }
0x1e4: {  	[sflag:s0] =	ssyncadd.s32 $0xFFFFF000  }
0x1e5: {  	_ =	swait.ge [sflag:s0], $0x1000  }
0x1e6: {  	[sflag:s0] =	ssyncset.done $0x0  }
0x1e7: {  	[sflag:s0] =	ssyncadd.s32 $0xFFFFF000  }
0x1e8: {  	_ =	swait.ge [sflag:s0], $0x1000  }
0x1e9: {  	[sflag:s0] =	ssyncset.done $0x0  }
0x1ea: {  	[sflag:s0] =	ssyncadd.s32 $0xFFFFF000  }
0x1eb: {  	_ =	swait.ge [sflag:s0], $0x1000  }
0x1ec: {  	[sflag:s0] =	ssyncset.done $0x0  }
0x1ed: {  	[sflag:s0] =	ssyncadd.s32 $0xFFFFF000  }
0x1ee: {  	_ =	swait.ge [sflag:s0], $0x1000  }
0x1ef: {  	[sflag:s0] =	ssyncset.done $0x0  }
0x1f0: {  	[sflag:s0] =	ssyncadd.s32 $0xFFFFF000  }
0x1f1: {  	_ =	swait.ge [sflag:s0], $0x1000  }
0x1f2: {  	[sflag:s0] =	ssyncset.done $0x0  }
0x1f3: {  	[sflag:s0] =	ssyncadd.s32 $0xFFFFF000  }
0x1f4: {  	_ =	swait.ge [sflag:s0], $0x1000  }
0x1f5: {  	[sflag:s0] =	ssyncset.done $0x0  }
0x1f6: {  	[sflag:s0] =	ssyncadd.s32 $0xFFFFF000  }
0x1f7: {  	_ =	swait.ge [sflag:s0], $0x1000  }
0x1f8: {  	[sflag:s0] =	ssyncset.done $0x0  }
0x1f9: {  	[sflag:s0] =	ssyncadd.s32 $0xFFFFF000  }
0x1fa: {  	_ =	swait.ge [sflag:s0], $0x1000  }
0x1fb: {  	[sflag:s0] =	ssyncset.done $0x0  }
0x1fc: {  	[sflag:s0] =	ssyncadd.s32 $0xFFFFF000  }
0x1fd: {  	_ =	swait.ge [sflag:s0], $0x1000  }
0x1fe: {  	[sflag:s0] =	ssyncset.done $0x0  }
0x1ff: {  	[sflag:s0] =	ssyncadd.s32 $0xFFFFF000  }
0x200: {  	_ =	swait.ge [sflag:s0], $0x1000  }
0x201: {  	[sflag:s0] =	ssyncset.done $0x0  }
0x202: {  	[sflag:s0] =	ssyncadd.s32 $0xFFFFF000  }
0x203: {  	_ =	swait.ge [sflag:s0], $0x1000  }
0x204: {  	[sflag:s0] =	ssyncset.done $0x0  }
0x205: {  	[sflag:s0] =	ssyncadd.s32 $0xFFFFF000  }
0x206: {  	_ =	swait.ge [sflag:s0], $0x1000  }
0x207: {  	[sflag:s0] =	ssyncset.done $0x0  }
0x208: {  	[sflag:s0] =	ssyncadd.s32 $0xFFFFF000  }
0x209: {  	_ =	swait.ge [sflag:s0], $0x1000  }
0x20a: {  	[sflag:s0] =	ssyncset.done $0x0  }
0x20b: {  	[sflag:s0] =	ssyncadd.s32 $0xFFFFF000  }
0x20c: {  	_ =	swait.ge [sflag:s0], $0x1000  }
0x20d: {  	[sflag:s0] =	ssyncset.done $0x0  }
0x20e: {  	[sflag:s0] =	ssyncadd.s32 $0xFFFFF000  }
0x20f: {  	_ =	swait.ge [sflag:s0], $0x1000  }
0x210: {  	s11 =	rddreg [dreg:$0x5];
	[sflag:s0] =	ssyncset.done $0x0  }
0x211: {  	s7 =	sadd.s32 s9, s11;
	[sflag:s0] =	ssyncadd.s32 $0xFFFFF000  }
0x212: {  	[hbm4b:s7+s2] =	stream.linear.scatter [tilespmem:s15], [sflag:$0x2], $0x10000, $0x38;
	[tilespmem:$0x16A00] =	vst v63  }
0x213: {  	_ =	swait.ge [sflag:s12], $0x10000  }
0x214: {  	[sflag:s12] =	ssyncset.done $0x0  }
0x215: {  	s9 =	simm.s32 $0x2800;
	s7 =	rddreg [dreg:$0xb];
	[sflag:s12] =	ssyncadd.s32 $0xFFFF0000  }
0x216: {  	[tilespmem:s5], [sflag:$0x1] =	stream.indirect.gather [hbm4b:s7+s14], $0x20, s9, s14, $0xb8;
	[tilespmem:$0x16A00] =	vst v63  }
0x217: {  	s6 =	simm.s32 $0x2880;
	s11 =	simm.s32 $0x13A00  }
0x218: {  	[tilespmem:s11], [sflag:$0x1] =	stream.indirect.gather [hbm4b:s7+s14], $0x20, s6, s14, $0xb8;
	[tilespmem:$0x16A00] =	vst v63  }
0x219: {  	s10 =	simm.s32 $0x14A00;
	s13 =	simm.s32 $0x2900  }
0x21a: {  	[tilespmem:s10], [sflag:$0x1] =	stream.indirect.gather [hbm4b:s7+s14], $0x20, s13, s14, $0xb8;
	[tilespmem:$0x16A00] =	vst v63  }
0x21b: {  	s6 =	simm.s32 $0x2980  }
0x21c: {  	[tilespmem:s8], [sflag:$0x1] =	stream.indirect.gather [hbm4b:s7+s14], $0x20, s6, s14, $0xb8;
	[tilespmem:$0x16A00] =	vst v63  }
0x21d: {  	_ =	swait.ge [sflag:s0], $0x1000  }
0x21e: {  	[sflag:s0] =	ssyncset.done $0x0  }
0x21f: {  	[sflag:s0] =	ssyncadd.s32 $0xFFFFF000  }
0x220: {  	_ =	swait.ge [sflag:s0], $0x1000  }
0x221: {  	[sflag:s0] =	ssyncset.done $0x0  }
0x222: {  	[sflag:s0] =	ssyncadd.s32 $0xFFFFF000  }
0x223: {  	_ =	swait.ge [sflag:s0], $0x1000  }
0x224: {  	[sflag:s0] =	ssyncset.done $0x0  }
0x225: {  	[sflag:s0] =	ssyncadd.s32 $0xFFFFF000  }
0x226: {  	_ =	swait.ge [sflag:s0], $0x1000  }
0x227: {  	[sflag:s0] =	ssyncset.done $0x0  }
0x228: {  	s13 =	rddreg [dreg:$0x8];
	[sflag:s0] =	ssyncadd.s32 $0xFFFFF000  }
0x229: {  	[hbm4b:s13+s2] =	stream.linear.scatter [tilespmem:s5], [sflag:$0x2], $0x4000, $0x38;
	[tilespmem:$0x16A00] =	vst v63  }
0x22a: {  	_ =	swait.ge [sflag:s12], $0x4000  }
0x22b: {  	[sflag:s12] =	ssyncset.done $0x0  }
0x22c: {  	s7 =	rddreg [dreg:$0xc];
	[sflag:s12] =	ssyncadd.s32 $0xFFFFC000  }
0x22d: {  	[tilespmem:s5], [sflag:$0x1] =	stream.indirect.gather [hbm4b:s7+s14], $0x20, s9, s14, $0xb8;
	[tilespmem:$0x16A00] =	vst v63  }
0x22e: {  	s13 =	simm.s32 $0x2880  }
0x22f: {  	[tilespmem:s11], [sflag:$0x1] =	stream.indirect.gather [hbm4b:s7+s14], $0x20, s13, s14, $0xb8;
	[tilespmem:$0x16A00] =	vst v63  }
0x230: {  	s13 =	simm.s32 $0x2900  }
0x231: {  	[tilespmem:s10], [sflag:$0x1] =	stream.indirect.gather [hbm4b:s7+s14], $0x20, s13, s14, $0xb8;
	[tilespmem:$0x16A00] =	vst v63  }
0x232: {  	_ = 	snop  }
0x233: {  	[tilespmem:s8], [sflag:$0x1] =	stream.indirect.gather [hbm4b:s7+s14], $0x20, s6, s14, $0xb8;
	[tilespmem:$0x16A00] =	vst v63  }
0x234: {  	_ =	swait.ge [sflag:s0], $0x1000  }
0x235: {  	[sflag:s0] =	ssyncset.done $0x0  }
0x236: {  	[sflag:s0] =	ssyncadd.s32 $0xFFFFF000  }
0x237: {  	_ =	swait.ge [sflag:s0], $0x1000  }
0x238: {  	[sflag:s0] =	ssyncset.done $0x0  }
0x239: {  	[sflag:s0] =	ssyncadd.s32 $0xFFFFF000  }
0x23a: {  	_ =	swait.ge [sflag:s0], $0x1000  }
0x23b: {  	[sflag:s0] =	ssyncset.done $0x0  }
0x23c: {  	[sflag:s0] =	ssyncadd.s32 $0xFFFFF000  }
0x23d: {  	_ =	swait.ge [sflag:s0], $0x1000  }
0x23e: {  	[sflag:s0] =	ssyncset.done $0x0  }
0x23f: {  	s11 =	rddreg [dreg:$0x9];
	[sflag:s0] =	ssyncadd.s32 $0xFFFFF000  }
0x240: {  	[hbm4b:s11+s2] =	stream.linear.scatter [tilespmem:s5], [sflag:$0x2], $0x4000, $0x38;
	[tilespmem:$0x16A00] =	vst v63  }
0x241: {  	_ =	swait.ge [sflag:s12], $0x4000  }
0x242: {  	s1 =	sadd.s32 $0x1, s1;
	s13 =	rddreg [dreg:$0xa]  }
0x243: {  	p0 =	sne.s32 s1, s13  }
.Ltmp4:
0x244: {  	_ = 	snop;
	(pc) =	sbr.rel @p0 .LBB2_1-.Ltmp4, $4  }
.Ltmp5:
0x245: {  	_ = 	snop;
	(pc) =	sbr.rel @!p0 .LBB2_9-.Ltmp5, $4  }
0x246: {  	_ = 	snop  }
0x247: {  	[sflag:s12] =	ssyncset.done $0x0  }
0x248: {  	[sflag:s12] =	ssyncadd.s32 $0xFFFFC000  }
0x249: {  	_ = 	snop  }
.LBB2_5:
.Ltmp6:
0x24a: {  	(pc) =	sbr.rel .LBB2_8-.Ltmp6, $2  }
0x24b: {  	_ =	sdelay $0x2  }
0x24c: {  	s9 =	simm.s32 $0x2000  }
.LBB2_9:
0x24d: {  	_ =	sfence.sel $0x180000  }
0x24e: {  	[bflag:$0x0] =	sbarrier.arrive $0xFFFF  }
0x24f: {  	_ =	strace $0x90000047  }
0x250: {  	s0 =	stileid.u32;
	[bflag:$0x2] =	sbarrier.arrive $0xFFFF  }
0x251: {  	p0 =	sne.s32 s0, $0x0;
	s0 =	rddreg [dreg:$0x3]  }
0x252: {  	s0 =	sadd.s32 @!p0 $0x100000, s0  }
0x253: {  	[sflag:s0] =	ssyncadd.tile.s32 @!p0 $0x1;
	_ =	shalt  }
.Lfunc_end2:
_tile_overlayer_lowered:
.L_overlay_start_2:
0x254: {  	(tag) =	ssettag $0x2  }
0x255: {  	s0 =	rddreg [dreg:$0x0];
	s2 =	stileid.u32  }
0x256: {  	s1 =	rddreg [dreg:$0x1];
	p0 =	sne.s32 s2, $0x0  }
0x257: {  	s3 =	rddreg [dreg:$0x2];
	[bflag:$0x3] =	sbarrier.arrive $0xFFFF;
	s2 =	simm.s32 @!p0 $0x1C02  }
0x258: {  	[timem:s3], [sflag:s2] =	dma.local @!p0 [hbm:s0], s1  }
0x259: {  	s0 =	simm.s32 @!p0 $0x2  }
0x25a: {  	_ =	swait.ge @!p0 [sflag:s0], s1  }
0x25b: {  	s1 =	ssub.s32 @!p0 $0x0, s1;
	[sflag:s0] =	ssyncset.done @!p0 $0x0  }
0x25c: {  	[sflag:s0] =	ssyncadd.s32 @!p0 s1  }
0x25d: {  	[bflag:$0x3] =	sbarrier.arrive $0xFFFF  }
0x25e: {  	_ =	shalt  }

</sc_bundles>
